<compile_context>
chip_gen: v7x
topology: tpu7x:2x2x1
jax: 0.10.2.dev20260603
libtpu: 0.0.44.dev20260713+nightly
codegen_flags: <defaults>
</compile_context>

<pallas_src>
import functools

import jax
import jax.numpy as jnp
from jax import lax
from jax.experimental import pallas as pl
from jax.experimental.pallas import tpu as pltpu
from jax.experimental.pallas import tpu_sc as plsc

K = 1024
D = 64
DP = 128
JB = 2048


def _vq_block(x_ref, w_ref, idx_ref, loss_ref):
    xb = x_ref[...]
    w = w_ref[...]
    w2 = w * (-2.0)
    mm2 = lax.dot_general(xb, w2, (((1,), (1,)), ((), ())),
                          preferred_element_type=jnp.float32)
    xsq = jnp.sum(xb * xb, axis=1, keepdims=True)
    wsq = jnp.sum(w * w, axis=1)
    d = (xsq + wsq[None, :]) + mm2
    m = jnp.min(d, axis=1, keepdims=True)
    ks = lax.broadcasted_iota(jnp.int32, d.shape, 1)
    nearest = jnp.min(jnp.where(d == m, ks, K), axis=1)
    idx_ref[...] = nearest[None, None, :]
    loss_ref[...] = jnp.broadcast_to(jnp.sum(m), (1, 1, 128))


_SC_INFO = plsc.get_sparse_core_info()
_NC, _NS = _SC_INFO.num_cores, _SC_INFO.num_subcores
_NW = _NC * _NS


def _make_sc_gather(n):
    rows_w = n // _NW
    nch = rows_w // 128
    mesh = plsc.VectorSubcoreMesh(core_axis_name="c", subcore_axis_name="s")

    @functools.partial(
        pl.kernel, mesh=mesh,
        out_type=[
            jax.ShapeDtypeStruct((n, DP), jnp.float32),
            jax.ShapeDtypeStruct((_NC, K, DP), jnp.float32),
        ],
        scratch_types=[
            pltpu.VMEM((rows_w,), jnp.int32),
            pltpu.VMEM((nch, 128), jnp.int32),
            pltpu.VMEM((128, DP), jnp.float32),
            pltpu.VMEM((128, DP), jnp.float32),
            pltpu.VMEM_SHARED((K, DP), jnp.float32),
            pltpu.SemaphoreType.DMA,
        ],
    )
    def sc_gather(wp_hbm, idx_hbm, idx8_hbm, zeros_hbm, ones_hbm, q_hbm,
                  cnt_hbm, idx_v, idx8_v, rows_v, ones_v, cnt_sh, sem):
        cid = lax.axis_index("c")
        sid = lax.axis_index("s")
        wid = sid * _NC + cid
        base = wid * rows_w
        pltpu.sync_copy(idx_hbm.at[wid], idx_v)
        pltpu.sync_copy(idx8_hbm.at[wid], idx8_v)
        pltpu.sync_copy(ones_hbm, ones_v)

        @pl.when(sid == 0)
        def _init_counts():
            pltpu.sync_copy(zeros_hbm, cnt_sh)

        for j in range(nch):
            pltpu.async_copy(
                wp_hbm.at[idx_v.at[pl.ds(j * 128, 128)]], rows_v, sem).wait()
            pltpu.sync_copy(rows_v, q_hbm.at[pl.ds(base + j * 128, 128)])

        plsc.subcore_barrier()
        for j in range(nch):
            pltpu.sync_copy(ones_v, cnt_sh.at[idx8_v.at[j]], add=True)
        plsc.subcore_barrier()

        @pl.when(sid == 0)
        def _write_counts():
            pltpu.sync_copy(cnt_sh, cnt_hbm.at[cid])

    return sc_gather


def kernel(inputs, W, beta):
    B, C, H, Wd = inputs.shape
    N = B * H * Wd
    nb = N // JB
    x = jnp.transpose(inputs, (0, 2, 3, 1)).reshape(N, D)
    idx, lsum = pl.pallas_call(
        _vq_block,
        grid=(nb,),
        in_specs=[
            pl.BlockSpec((JB, D), lambda j: (j, 0)),
            pl.BlockSpec((K, D), lambda j: (0, 0)),
        ],
        out_specs=[
            pl.BlockSpec((1, 1, JB), lambda j: (j, 0, 0)),
            pl.BlockSpec((1, 1, 128), lambda j: (j, 0, 0)),
        ],
        out_shape=[
            jax.ShapeDtypeStruct((nb, 1, JB), jnp.int32),
            jax.ShapeDtypeStruct((nb, 1, 128), jnp.float32),
        ],
    )(x, W)
    wp = jnp.pad(W, ((0, 0), (0, DP - D)))
    rows_w = N // _NW
    idx2 = idx.reshape(_NW, rows_w)
    idx3 = idx.reshape(_NW, rows_w // 128, 128)
    zeros = jnp.zeros((K, DP), jnp.float32)
    ones = jnp.ones((128, DP), jnp.float32)
    q, cnt = _make_sc_gather(N)(wp, idx2, idx3, zeros, ones)
    loss_mean = jnp.sum(lsum[:, 0, 0]) / (N * D)
    loss = loss_mean + beta * loss_mean
    e_mean = jnp.sum(cnt[:, :, 0], axis=0) / N
    perplexity = jnp.exp(-jnp.sum(e_mean * jnp.log(e_mean + 1e-10)))
    quantized_out = jnp.transpose(q[:, :D].reshape(B, H, Wd, C), (0, 3, 1, 2))
    return (loss, quantized_out, perplexity)

# --- scband reference (transcript-rebuilt; emitter-appended) ---
"""Pipeline reference for scband-quantizer-69896297775277 (READ-ONLY COPY).

The authoritative reference and input builder live on the scoring server;
editing this copy changes nothing except your own understanding.
"""

import jax, jax.numpy as jnp
import numpy as np

NUM_EMBEDDINGS = 1024
EMBEDDINGS_DIM = 64


def setup_inputs(seed: int = 0) -> dict:
    key = jax.random.key(seed)
    k1, k2 = jax.random.split(key)
    inputs = jax.random.normal(k1, (32, 64, 32, 32), dtype=jnp.float32)
    W = jax.random.uniform(k2, (NUM_EMBEDDINGS, EMBEDDINGS_DIM), dtype=jnp.float32,
                           minval=-1.0 / NUM_EMBEDDINGS, maxval=1.0 / NUM_EMBEDDINGS)
    return {"inputs": inputs, "W": W, "beta": 1}


def reference(inputs, W, beta):
    # inputs: [B, C, H, W] with C == EMBEDDINGS_DIM
    x = jnp.transpose(inputs, (0, 2, 3, 1))  # [B, H, W, C]
    flatten = x.reshape(-1, EMBEDDINGS_DIM)  # [N, D]
    # squared euclidean distance to codebook entries
    d = (jnp.sum(flatten ** 2, axis=1, keepdims=True)
         + jnp.sum(W ** 2, axis=1)
         - 2.0 * jnp.matmul(flatten, W.T))  # [N, K]
    nearest = jnp.argmin(d, axis=1)  # [N]
    one_hot = jax.nn.one_hot(nearest, NUM_EMBEDDINGS, dtype=x.dtype)  # [N, K]
    quantized = jnp.matmul(one_hot, W).reshape(x.shape)  # [B, H, W, C]
    loss = (jnp.mean((jax.lax.stop_gradient(quantized) - x) ** 2)
            + beta * jnp.mean((quantized - jax.lax.stop_gradient(x)) ** 2))
    quantized_st = x + jax.lax.stop_gradient(quantized) - jax.lax.stop_gradient(x)
    e_mean = jnp.mean(one_hot, axis=0)
    perplexity = jnp.exp(-jnp.sum(e_mean * jnp.log(e_mean + 1e-10)))
    quantized_out = jnp.transpose(quantized_st, (0, 3, 1, 2))  # [B, C, H, W]
    return (loss, quantized_out, perplexity)

if __name__ == "__main__":
    import jax
    _d = setup_inputs()
    print(jax.jit(kernel)(*tuple(_d.values())))

</pallas_src>

<mosaic_0001>
#map = affine_map<(d0, d1) -> (0, 0)>
#map1 = affine_map<(d0, d1) -> (0, 0, 0)>
module attributes {stable_mosaic.version = 14 : i64} {
  func.func @sc_gather(%arg0: i32, %arg1: i32, %arg2: memref<1024x128xf32, #tpu.memory_space<hbm>>, %arg3: memref<32x1024xi32, #tpu.memory_space<hbm>>, %arg4: memref<32x8x128xi32, #tpu.memory_space<hbm>>, %arg5: memref<1024x128xf32, #tpu.memory_space<hbm>>, %arg6: memref<128x128xf32, #tpu.memory_space<hbm>>, %arg7: memref<32768x128xf32, #tpu.memory_space<hbm>>, %arg8: memref<2x1024x128xf32, #tpu.memory_space<hbm>>, %arg9: memref<1024xi32, #tpu.memory_space<vmem>>, %arg10: memref<8x128xi32, #tpu.memory_space<vmem>>, %arg11: memref<128x128xf32, #tpu.memory_space<vmem>>, %arg12: memref<128x128xf32, #tpu.memory_space<vmem>>, %arg13: memref<1024x128xf32, #tpu.memory_space<vmem_shared>>, %arg14: memref<!tpu.dma_semaphore, #tpu.memory_space<semaphore_mem>>) attributes {dimension_semantics = [#tpu.dimension_semantics<core_parallel>, #tpu.dimension_semantics<subcore_parallel>], iteration_bounds = array<i64: 2, 16>, scalar_prefetch = 0 : i64, scratch_operands = 6 : i64, tpu.core_type = #tpu.core_type<sc_vector_subcore>, window_params = [{transform_indices = #map}, {transform_indices = #map}, {transform_indices = #map1}, {transform_indices = #map}, {transform_indices = #map}, {transform_indices = #map}, {transform_indices = #map1}]} {
    %mul3A = arith.constant 2 : i32
    %mul3A_0 = arith.muli %arg1, %mul3A : i32
    %add3A = arith.addi %mul3A_0, %arg0 : i32
    %mul3A_1 = arith.constant 1024 : i32
    %mul3A_2 = arith.muli %add3A, %mul3A_1 : i32
    "tpu.region"() ({
      %run_scoped3A_112 = tpu.sem_alloc : memref<!tpu.dma_semaphore, #tpu.memory_space<semaphore_mem>>
      %dma_start3A_113 = arith.constant 0 : i32
      %dma_start3A_114 = tpu.memref_slice %arg3[%add3A, %dma_start3A_113] : memref<32x1024xi32, #tpu.memory_space<hbm>> -> memref<1x1024xi32, #tpu.memory_space<hbm>>
      %dma_start3A_115 = tpu.memref_squeeze %dma_start3A_114 : memref<1x1024xi32, #tpu.memory_space<hbm>> -> memref<1024xi32, #tpu.memory_space<hbm>>
      %dma_start3A_116 = arith.constant 0 : i32
      %dma_start3A_117 = tpu.memref_slice %arg3[%add3A, %dma_start3A_116] : memref<32x1024xi32, #tpu.memory_space<hbm>> -> memref<1x1024xi32, #tpu.memory_space<hbm>>
      %dma_start3A_118 = tpu.memref_squeeze %dma_start3A_117 : memref<1x1024xi32, #tpu.memory_space<hbm>> -> memref<1024xi32, #tpu.memory_space<hbm>>
      tpu.enqueue_dma source(%dma_start3A_118 : memref<1024xi32, #tpu.memory_space<hbm>>) target(%arg9 : memref<1024xi32, #tpu.memory_space<vmem>>) target_semaphore(%run_scoped3A_112 : memref<!tpu.dma_semaphore, #tpu.memory_space<semaphore_mem>>)
      %dma_wait3A_119 = arith.constant 0 : i32
      %dma_wait3A_120 = tpu.memref_slice %arg3[%add3A, %dma_wait3A_119] : memref<32x1024xi32, #tpu.memory_space<hbm>> -> memref<1x1024xi32, #tpu.memory_space<hbm>>
      %dma_wait3A_121 = tpu.memref_squeeze %dma_wait3A_120 : memref<1x1024xi32, #tpu.memory_space<hbm>> -> memref<1024xi32, #tpu.memory_space<hbm>>
      %dma_wait3A_122 = arith.constant 0 : i32
      %dma_wait3A_123 = tpu.memref_slice %arg3[%add3A, %dma_wait3A_122] : memref<32x1024xi32, #tpu.memory_space<hbm>> -> memref<1x1024xi32, #tpu.memory_space<hbm>>
      %dma_wait3A_124 = tpu.memref_squeeze %dma_wait3A_123 : memref<1x1024xi32, #tpu.memory_space<hbm>> -> memref<1024xi32, #tpu.memory_space<hbm>>
      tpu.wait_dma2 semaphore(%run_scoped3A_112 : memref<!tpu.dma_semaphore, #tpu.memory_space<semaphore_mem>>) src(%dma_wait3A_124 : memref<1024xi32, #tpu.memory_space<hbm>>) dst(%arg9 : memref<1024xi32, #tpu.memory_space<vmem>>)
      tpu.yield
    }) : () -> ()
    "tpu.region"() ({
      %run_scoped3A_112 = tpu.sem_alloc : memref<!tpu.dma_semaphore, #tpu.memory_space<semaphore_mem>>
      %dma_start3A_113 = arith.constant 0 : i32
      %dma_start3A_114 = arith.constant 0 : i32
      %dma_start3A_115 = tpu.memref_slice %arg4[%add3A, %dma_start3A_113, %dma_start3A_114] : memref<32x8x128xi32, #tpu.memory_space<hbm>> -> memref<1x8x128xi32, #tpu.memory_space<hbm>>
      %dma_start3A_116 = tpu.memref_squeeze %dma_start3A_115 : memref<1x8x128xi32, #tpu.memory_space<hbm>> -> memref<8x128xi32, #tpu.memory_space<hbm>>
      %dma_start3A_117 = arith.constant 0 : i32
      %dma_start3A_118 = arith.constant 0 : i32
      %dma_start3A_119 = tpu.memref_slice %arg4[%add3A, %dma_start3A_117, %dma_start3A_118] : memref<32x8x128xi32, #tpu.memory_space<hbm>> -> memref<1x8x128xi32, #tpu.memory_space<hbm>>
      %dma_start3A_120 = tpu.memref_squeeze %dma_start3A_119 : memref<1x8x128xi32, #tpu.memory_space<hbm>> -> memref<8x128xi32, #tpu.memory_space<hbm>>
      tpu.enqueue_dma source(%dma_start3A_120 : memref<8x128xi32, #tpu.memory_space<hbm>>) target(%arg10 : memref<8x128xi32, #tpu.memory_space<vmem>>) target_semaphore(%run_scoped3A_112 : memref<!tpu.dma_semaphore, #tpu.memory_space<semaphore_mem>>)
      %dma_wait3A_121 = arith.constant 0 : i32
      %dma_wait3A_122 = arith.constant 0 : i32
      %dma_wait3A_123 = tpu.memref_slice %arg4[%add3A, %dma_wait3A_121, %dma_wait3A_122] : memref<32x8x128xi32, #tpu.memory_space<hbm>> -> memref<1x8x128xi32, #tpu.memory_space<hbm>>
      %dma_wait3A_124 = tpu.memref_squeeze %dma_wait3A_123 : memref<1x8x128xi32, #tpu.memory_space<hbm>> -> memref<8x128xi32, #tpu.memory_space<hbm>>
      %dma_wait3A_125 = arith.constant 0 : i32
      %dma_wait3A_126 = arith.constant 0 : i32
      %dma_wait3A_127 = tpu.memref_slice %arg4[%add3A, %dma_wait3A_125, %dma_wait3A_126] : memref<32x8x128xi32, #tpu.memory_space<hbm>> -> memref<1x8x128xi32, #tpu.memory_space<hbm>>
      %dma_wait3A_128 = tpu.memref_squeeze %dma_wait3A_127 : memref<1x8x128xi32, #tpu.memory_space<hbm>> -> memref<8x128xi32, #tpu.memory_space<hbm>>
      tpu.wait_dma2 semaphore(%run_scoped3A_112 : memref<!tpu.dma_semaphore, #tpu.memory_space<semaphore_mem>>) src(%dma_wait3A_128 : memref<8x128xi32, #tpu.memory_space<hbm>>) dst(%arg10 : memref<8x128xi32, #tpu.memory_space<vmem>>)
      tpu.yield
    }) : () -> ()
    "tpu.region"() ({
      %run_scoped3A_112 = tpu.sem_alloc : memref<!tpu.dma_semaphore, #tpu.memory_space<semaphore_mem>>
      tpu.enqueue_dma source(%arg6 : memref<128x128xf32, #tpu.memory_space<hbm>>) target(%arg12 : memref<128x128xf32, #tpu.memory_space<vmem>>) target_semaphore(%run_scoped3A_112 : memref<!tpu.dma_semaphore, #tpu.memory_space<semaphore_mem>>)
      tpu.wait_dma2 semaphore(%run_scoped3A_112 : memref<!tpu.dma_semaphore, #tpu.memory_space<semaphore_mem>>) src(%arg6 : memref<128x128xf32, #tpu.memory_space<hbm>>) dst(%arg12 : memref<128x128xf32, #tpu.memory_space<vmem>>)
      tpu.yield
    }) : () -> ()
    %eq3A = arith.constant 0 : i32
    %eq3A_3 = arith.cmpi eq, %arg1, %eq3A : i32
    %convert_element_type3A = arith.extui %eq3A_3 : i1 to i32
    %cond3A = arith.constant 0 : i32
    %cond3A_4 = arith.cmpi ne, %convert_element_type3A, %cond3A : i32
    scf.if %cond3A_4 {
      "tpu.region"() ({
        %run_scoped3A_112 = tpu.sem_alloc : memref<!tpu.dma_semaphore, #tpu.memory_space<semaphore_mem>>
        tpu.enqueue_dma source(%arg5 : memref<1024x128xf32, #tpu.memory_space<hbm>>) target(%arg13 : memref<1024x128xf32, #tpu.memory_space<vmem_shared>>) target_semaphore(%run_scoped3A_112 : memref<!tpu.dma_semaphore, #tpu.memory_space<semaphore_mem>>)
        tpu.wait_dma2 semaphore(%run_scoped3A_112 : memref<!tpu.dma_semaphore, #tpu.memory_space<semaphore_mem>>) src(%arg5 : memref<1024x128xf32, #tpu.memory_space<hbm>>) dst(%arg13 : memref<1024x128xf32, #tpu.memory_space<vmem_shared>>)
        tpu.yield
      }) : () -> ()
    } else {
    }
    %dma_start3A = arith.constant 0 : i32
    %dma_start3A_5 = tpu.memref_slice %arg9[%dma_start3A] : memref<1024xi32, #tpu.memory_space<vmem>> -> memref<128xi32, #tpu.memory_space<vmem>>
    %dma_start3A_6 = arith.constant 0 : i32
    %dma_start3A_7 = arith.constant 0 : i32
    %dma_start3A_8 = tpu.memref_slice %arg2[%dma_start3A_6, %dma_start3A_7] : memref<1024x128xf32, #tpu.memory_space<hbm>> -> memref<1024x128xf32, #tpu.memory_space<hbm>>
    tpu.enqueue_indirect_dma source(%dma_start3A_8 : memref<1024x128xf32, #tpu.memory_space<hbm>>) target(%arg11 : memref<128x128xf32, #tpu.memory_space<vmem>>) offsets(%dma_start3A_5 : memref<128xi32, #tpu.memory_space<vmem>>) semaphore(%arg14 : memref<!tpu.dma_semaphore, #tpu.memory_space<semaphore_mem>>)
    %dma_wait3A = arith.constant 0 : i32
    %dma_wait3A_9 = tpu.memref_slice %arg9[%dma_wait3A] : memref<1024xi32, #tpu.memory_space<vmem>> -> memref<128xi32, #tpu.memory_space<vmem>>
    %dma_wait3A_10 = arith.constant 0 : i32
    %dma_wait3A_11 = arith.constant 0 : i32
    %dma_wait3A_12 = tpu.memref_slice %arg2[%dma_wait3A_10, %dma_wait3A_11] : memref<1024x128xf32, #tpu.memory_space<hbm>> -> memref<1024x128xf32, #tpu.memory_space<hbm>>
    tpu.wait_indirect_dma semaphore(%arg14 : memref<!tpu.dma_semaphore, #tpu.memory_space<semaphore_mem>>) src(%dma_wait3A_12 : memref<1024x128xf32, #tpu.memory_space<hbm>>) dst(%arg11 : memref<128x128xf32, #tpu.memory_space<vmem>>)
    %add3A_13 = arith.constant 0 : i32
    %add3A_14 = arith.addi %mul3A_2, %add3A_13 : i32
    "tpu.region"() ({
      %run_scoped3A_112 = tpu.sem_alloc : memref<!tpu.dma_semaphore, #tpu.memory_space<semaphore_mem>>
      %dma_start3A_113 = arith.constant 0 : i32
      %dma_start3A_114 = tpu.memref_slice %arg7[%add3A_14, %dma_start3A_113] : memref<32768x128xf32, #tpu.memory_space<hbm>> -> memref<128x128xf32, #tpu.memory_space<hbm>>
      %dma_start3A_115 = arith.constant 0 : i32
      %dma_start3A_116 = tpu.memref_slice %arg7[%add3A_14, %dma_start3A_115] : memref<32768x128xf32, #tpu.memory_space<hbm>> -> memref<128x128xf32, #tpu.memory_space<hbm>>
      tpu.enqueue_dma source(%arg11 : memref<128x128xf32, #tpu.memory_space<vmem>>) target(%dma_start3A_116 : memref<128x128xf32, #tpu.memory_space<hbm>>) target_semaphore(%run_scoped3A_112 : memref<!tpu.dma_semaphore, #tpu.memory_space<semaphore_mem>>)
      %dma_wait3A_117 = arith.constant 0 : i32
      %dma_wait3A_118 = tpu.memref_slice %arg7[%add3A_14, %dma_wait3A_117] : memref<32768x128xf32, #tpu.memory_space<hbm>> -> memref<128x128xf32, #tpu.memory_space<hbm>>
      %dma_wait3A_119 = arith.constant 0 : i32
      %dma_wait3A_120 = tpu.memref_slice %arg7[%add3A_14, %dma_wait3A_119] : memref<32768x128xf32, #tpu.memory_space<hbm>> -> memref<128x128xf32, #tpu.memory_space<hbm>>
      tpu.wait_dma2 semaphore(%run_scoped3A_112 : memref<!tpu.dma_semaphore, #tpu.memory_space<semaphore_mem>>) src(%arg11 : memref<128x128xf32, #tpu.memory_space<vmem>>) dst(%dma_wait3A_120 : memref<128x128xf32, #tpu.memory_space<hbm>>)
      tpu.yield
    }) : () -> ()
    %dma_start3A_15 = arith.constant 128 : i32
    %dma_start3A_16 = tpu.memref_slice %arg9[%dma_start3A_15] : memref<1024xi32, #tpu.memory_space<vmem>> -> memref<128xi32, #tpu.memory_space<vmem>>
    %dma_start3A_17 = arith.constant 0 : i32
    %dma_start3A_18 = arith.constant 0 : i32
    %dma_start3A_19 = tpu.memref_slice %arg2[%dma_start3A_17, %dma_start3A_18] : memref<1024x128xf32, #tpu.memory_space<hbm>> -> memref<1024x128xf32, #tpu.memory_space<hbm>>
    tpu.enqueue_indirect_dma source(%dma_start3A_19 : memref<1024x128xf32, #tpu.memory_space<hbm>>) target(%arg11 : memref<128x128xf32, #tpu.memory_space<vmem>>) offsets(%dma_start3A_16 : memref<128xi32, #tpu.memory_space<vmem>>) semaphore(%arg14 : memref<!tpu.dma_semaphore, #tpu.memory_space<semaphore_mem>>)
    %dma_wait3A_20 = arith.constant 128 : i32
    %dma_wait3A_21 = tpu.memref_slice %arg9[%dma_wait3A_20] : memref<1024xi32, #tpu.memory_space<vmem>> -> memref<128xi32, #tpu.memory_space<vmem>>
    %dma_wait3A_22 = arith.constant 0 : i32
    %dma_wait3A_23 = arith.constant 0 : i32
    %dma_wait3A_24 = tpu.memref_slice %arg2[%dma_wait3A_22, %dma_wait3A_23] : memref<1024x128xf32, #tpu.memory_space<hbm>> -> memref<1024x128xf32, #tpu.memory_space<hbm>>
    tpu.wait_indirect_dma semaphore(%arg14 : memref<!tpu.dma_semaphore, #tpu.memory_space<semaphore_mem>>) src(%dma_wait3A_24 : memref<1024x128xf32, #tpu.memory_space<hbm>>) dst(%arg11 : memref<128x128xf32, #tpu.memory_space<vmem>>)
    %add3A_25 = arith.constant 128 : i32
    %add3A_26 = arith.addi %mul3A_2, %add3A_25 : i32
    "tpu.region"() ({
      %run_scoped3A_112 = tpu.sem_alloc : memref<!tpu.dma_semaphore, #tpu.memory_space<semaphore_mem>>
      %dma_start3A_113 = arith.constant 0 : i32
      %dma_start3A_114 = tpu.memref_slice %arg7[%add3A_26, %dma_start3A_113] : memref<32768x128xf32, #tpu.memory_space<hbm>> -> memref<128x128xf32, #tpu.memory_space<hbm>>
      %dma_start3A_115 = arith.constant 0 : i32
      %dma_start3A_116 = tpu.memref_slice %arg7[%add3A_26, %dma_start3A_115] : memref<32768x128xf32, #tpu.memory_space<hbm>> -> memref<128x128xf32, #tpu.memory_space<hbm>>
      tpu.enqueue_dma source(%arg11 : memref<128x128xf32, #tpu.memory_space<vmem>>) target(%dma_start3A_116 : memref<128x128xf32, #tpu.memory_space<hbm>>) target_semaphore(%run_scoped3A_112 : memref<!tpu.dma_semaphore, #tpu.memory_space<semaphore_mem>>)
      %dma_wait3A_117 = arith.constant 0 : i32
      %dma_wait3A_118 = tpu.memref_slice %arg7[%add3A_26, %dma_wait3A_117] : memref<32768x128xf32, #tpu.memory_space<hbm>> -> memref<128x128xf32, #tpu.memory_space<hbm>>
      %dma_wait3A_119 = arith.constant 0 : i32
      %dma_wait3A_120 = tpu.memref_slice %arg7[%add3A_26, %dma_wait3A_119] : memref<32768x128xf32, #tpu.memory_space<hbm>> -> memref<128x128xf32, #tpu.memory_space<hbm>>
      tpu.wait_dma2 semaphore(%run_scoped3A_112 : memref<!tpu.dma_semaphore, #tpu.memory_space<semaphore_mem>>) src(%arg11 : memref<128x128xf32, #tpu.memory_space<vmem>>) dst(%dma_wait3A_120 : memref<128x128xf32, #tpu.memory_space<hbm>>)
      tpu.yield
    }) : () -> ()
    %dma_start3A_27 = arith.constant 256 : i32
    %dma_start3A_28 = tpu.memref_slice %arg9[%dma_start3A_27] : memref<1024xi32, #tpu.memory_space<vmem>> -> memref<128xi32, #tpu.memory_space<vmem>>
    %dma_start3A_29 = arith.constant 0 : i32
    %dma_start3A_30 = arith.constant 0 : i32
    %dma_start3A_31 = tpu.memref_slice %arg2[%dma_start3A_29, %dma_start3A_30] : memref<1024x128xf32, #tpu.memory_space<hbm>> -> memref<1024x128xf32, #tpu.memory_space<hbm>>
    tpu.enqueue_indirect_dma source(%dma_start3A_31 : memref<1024x128xf32, #tpu.memory_space<hbm>>) target(%arg11 : memref<128x128xf32, #tpu.memory_space<vmem>>) offsets(%dma_start3A_28 : memref<128xi32, #tpu.memory_space<vmem>>) semaphore(%arg14 : memref<!tpu.dma_semaphore, #tpu.memory_space<semaphore_mem>>)
    %dma_wait3A_32 = arith.constant 256 : i32
    %dma_wait3A_33 = tpu.memref_slice %arg9[%dma_wait3A_32] : memref<1024xi32, #tpu.memory_space<vmem>> -> memref<128xi32, #tpu.memory_space<vmem>>
    %dma_wait3A_34 = arith.constant 0 : i32
    %dma_wait3A_35 = arith.constant 0 : i32
    %dma_wait3A_36 = tpu.memref_slice %arg2[%dma_wait3A_34, %dma_wait3A_35] : memref<1024x128xf32, #tpu.memory_space<hbm>> -> memref<1024x128xf32, #tpu.memory_space<hbm>>
    tpu.wait_indirect_dma semaphore(%arg14 : memref<!tpu.dma_semaphore, #tpu.memory_space<semaphore_mem>>) src(%dma_wait3A_36 : memref<1024x128xf32, #tpu.memory_space<hbm>>) dst(%arg11 : memref<128x128xf32, #tpu.memory_space<vmem>>)
    %add3A_37 = arith.constant 256 : i32
    %add3A_38 = arith.addi %mul3A_2, %add3A_37 : i32
    "tpu.region"() ({
      %run_scoped3A_112 = tpu.sem_alloc : memref<!tpu.dma_semaphore, #tpu.memory_space<semaphore_mem>>
      %dma_start3A_113 = arith.constant 0 : i32
      %dma_start3A_114 = tpu.memref_slice %arg7[%add3A_38, %dma_start3A_113] : memref<32768x128xf32, #tpu.memory_space<hbm>> -> memref<128x128xf32, #tpu.memory_space<hbm>>
      %dma_start3A_115 = arith.constant 0 : i32
      %dma_start3A_116 = tpu.memref_slice %arg7[%add3A_38, %dma_start3A_115] : memref<32768x128xf32, #tpu.memory_space<hbm>> -> memref<128x128xf32, #tpu.memory_space<hbm>>
      tpu.enqueue_dma source(%arg11 : memref<128x128xf32, #tpu.memory_space<vmem>>) target(%dma_start3A_116 : memref<128x128xf32, #tpu.memory_space<hbm>>) target_semaphore(%run_scoped3A_112 : memref<!tpu.dma_semaphore, #tpu.memory_space<semaphore_mem>>)
      %dma_wait3A_117 = arith.constant 0 : i32
      %dma_wait3A_118 = tpu.memref_slice %arg7[%add3A_38, %dma_wait3A_117] : memref<32768x128xf32, #tpu.memory_space<hbm>> -> memref<128x128xf32, #tpu.memory_space<hbm>>
      %dma_wait3A_119 = arith.constant 0 : i32
      %dma_wait3A_120 = tpu.memref_slice %arg7[%add3A_38, %dma_wait3A_119] : memref<32768x128xf32, #tpu.memory_space<hbm>> -> memref<128x128xf32, #tpu.memory_space<hbm>>
      tpu.wait_dma2 semaphore(%run_scoped3A_112 : memref<!tpu.dma_semaphore, #tpu.memory_space<semaphore_mem>>) src(%arg11 : memref<128x128xf32, #tpu.memory_space<vmem>>) dst(%dma_wait3A_120 : memref<128x128xf32, #tpu.memory_space<hbm>>)
      tpu.yield
    }) : () -> ()
    %dma_start3A_39 = arith.constant 384 : i32
    %dma_start3A_40 = tpu.memref_slice %arg9[%dma_start3A_39] : memref<1024xi32, #tpu.memory_space<vmem>> -> memref<128xi32, #tpu.memory_space<vmem>>
    %dma_start3A_41 = arith.constant 0 : i32
    %dma_start3A_42 = arith.constant 0 : i32
    %dma_start3A_43 = tpu.memref_slice %arg2[%dma_start3A_41, %dma_start3A_42] : memref<1024x128xf32, #tpu.memory_space<hbm>> -> memref<1024x128xf32, #tpu.memory_space<hbm>>
    tpu.enqueue_indirect_dma source(%dma_start3A_43 : memref<1024x128xf32, #tpu.memory_space<hbm>>) target(%arg11 : memref<128x128xf32, #tpu.memory_space<vmem>>) offsets(%dma_start3A_40 : memref<128xi32, #tpu.memory_space<vmem>>) semaphore(%arg14 : memref<!tpu.dma_semaphore, #tpu.memory_space<semaphore_mem>>)
    %dma_wait3A_44 = arith.constant 384 : i32
    %dma_wait3A_45 = tpu.memref_slice %arg9[%dma_wait3A_44] : memref<1024xi32, #tpu.memory_space<vmem>> -> memref<128xi32, #tpu.memory_space<vmem>>
    %dma_wait3A_46 = arith.constant 0 : i32
    %dma_wait3A_47 = arith.constant 0 : i32
    %dma_wait3A_48 = tpu.memref_slice %arg2[%dma_wait3A_46, %dma_wait3A_47] : memref<1024x128xf32, #tpu.memory_space<hbm>> -> memref<1024x128xf32, #tpu.memory_space<hbm>>
    tpu.wait_indirect_dma semaphore(%arg14 : memref<!tpu.dma_semaphore, #tpu.memory_space<semaphore_mem>>) src(%dma_wait3A_48 : memref<1024x128xf32, #tpu.memory_space<hbm>>) dst(%arg11 : memref<128x128xf32, #tpu.memory_space<vmem>>)
    %add3A_49 = arith.constant 384 : i32
    %add3A_50 = arith.addi %mul3A_2, %add3A_49 : i32
    "tpu.region"() ({
      %run_scoped3A_112 = tpu.sem_alloc : memref<!tpu.dma_semaphore, #tpu.memory_space<semaphore_mem>>
      %dma_start3A_113 = arith.constant 0 : i32
      %dma_start3A_114 = tpu.memref_slice %arg7[%add3A_50, %dma_start3A_113] : memref<32768x128xf32, #tpu.memory_space<hbm>> -> memref<128x128xf32, #tpu.memory_space<hbm>>
      %dma_start3A_115 = arith.constant 0 : i32
      %dma_start3A_116 = tpu.memref_slice %arg7[%add3A_50, %dma_start3A_115] : memref<32768x128xf32, #tpu.memory_space<hbm>> -> memref<128x128xf32, #tpu.memory_space<hbm>>
      tpu.enqueue_dma source(%arg11 : memref<128x128xf32, #tpu.memory_space<vmem>>) target(%dma_start3A_116 : memref<128x128xf32, #tpu.memory_space<hbm>>) target_semaphore(%run_scoped3A_112 : memref<!tpu.dma_semaphore, #tpu.memory_space<semaphore_mem>>)
      %dma_wait3A_117 = arith.constant 0 : i32
      %dma_wait3A_118 = tpu.memref_slice %arg7[%add3A_50, %dma_wait3A_117] : memref<32768x128xf32, #tpu.memory_space<hbm>> -> memref<128x128xf32, #tpu.memory_space<hbm>>
      %dma_wait3A_119 = arith.constant 0 : i32
      %dma_wait3A_120 = tpu.memref_slice %arg7[%add3A_50, %dma_wait3A_119] : memref<32768x128xf32, #tpu.memory_space<hbm>> -> memref<128x128xf32, #tpu.memory_space<hbm>>
      tpu.wait_dma2 semaphore(%run_scoped3A_112 : memref<!tpu.dma_semaphore, #tpu.memory_space<semaphore_mem>>) src(%arg11 : memref<128x128xf32, #tpu.memory_space<vmem>>) dst(%dma_wait3A_120 : memref<128x128xf32, #tpu.memory_space<hbm>>)
      tpu.yield
    }) : () -> ()
    %dma_start3A_51 = arith.constant 512 : i32
    %dma_start3A_52 = tpu.memref_slice %arg9[%dma_start3A_51] : memref<1024xi32, #tpu.memory_space<vmem>> -> memref<128xi32, #tpu.memory_space<vmem>>
    %dma_start3A_53 = arith.constant 0 : i32
    %dma_start3A_54 = arith.constant 0 : i32
    %dma_start3A_55 = tpu.memref_slice %arg2[%dma_start3A_53, %dma_start3A_54] : memref<1024x128xf32, #tpu.memory_space<hbm>> -> memref<1024x128xf32, #tpu.memory_space<hbm>>
    tpu.enqueue_indirect_dma source(%dma_start3A_55 : memref<1024x128xf32, #tpu.memory_space<hbm>>) target(%arg11 : memref<128x128xf32, #tpu.memory_space<vmem>>) offsets(%dma_start3A_52 : memref<128xi32, #tpu.memory_space<vmem>>) semaphore(%arg14 : memref<!tpu.dma_semaphore, #tpu.memory_space<semaphore_mem>>)
    %dma_wait3A_56 = arith.constant 512 : i32
    %dma_wait3A_57 = tpu.memref_slice %arg9[%dma_wait3A_56] : memref<1024xi32, #tpu.memory_space<vmem>> -> memref<128xi32, #tpu.memory_space<vmem>>
    %dma_wait3A_58 = arith.constant 0 : i32
    %dma_wait3A_59 = arith.constant 0 : i32
    %dma_wait3A_60 = tpu.memref_slice %arg2[%dma_wait3A_58, %dma_wait3A_59] : memref<1024x128xf32, #tpu.memory_space<hbm>> -> memref<1024x128xf32, #tpu.memory_space<hbm>>
    tpu.wait_indirect_dma semaphore(%arg14 : memref<!tpu.dma_semaphore, #tpu.memory_space<semaphore_mem>>) src(%dma_wait3A_60 : memref<1024x128xf32, #tpu.memory_space<hbm>>) dst(%arg11 : memref<128x128xf32, #tpu.memory_space<vmem>>)
    %add3A_61 = arith.constant 512 : i32
    %add3A_62 = arith.addi %mul3A_2, %add3A_61 : i32
    "tpu.region"() ({
      %run_scoped3A_112 = tpu.sem_alloc : memref<!tpu.dma_semaphore, #tpu.memory_space<semaphore_mem>>
      %dma_start3A_113 = arith.constant 0 : i32
      %dma_start3A_114 = tpu.memref_slice %arg7[%add3A_62, %dma_start3A_113] : memref<32768x128xf32, #tpu.memory_space<hbm>> -> memref<128x128xf32, #tpu.memory_space<hbm>>
      %dma_start3A_115 = arith.constant 0 : i32
      %dma_start3A_116 = tpu.memref_slice %arg7[%add3A_62, %dma_start3A_115] : memref<32768x128xf32, #tpu.memory_space<hbm>> -> memref<128x128xf32, #tpu.memory_space<hbm>>
      tpu.enqueue_dma source(%arg11 : memref<128x128xf32, #tpu.memory_space<vmem>>) target(%dma_start3A_116 : memref<128x128xf32, #tpu.memory_space<hbm>>) target_semaphore(%run_scoped3A_112 : memref<!tpu.dma_semaphore, #tpu.memory_space<semaphore_mem>>)
      %dma_wait3A_117 = arith.constant 0 : i32
      %dma_wait3A_118 = tpu.memref_slice %arg7[%add3A_62, %dma_wait3A_117] : memref<32768x128xf32, #tpu.memory_space<hbm>> -> memref<128x128xf32, #tpu.memory_space<hbm>>
      %dma_wait3A_119 = arith.constant 0 : i32
      %dma_wait3A_120 = tpu.memref_slice %arg7[%add3A_62, %dma_wait3A_119] : memref<32768x128xf32, #tpu.memory_space<hbm>> -> memref<128x128xf32, #tpu.memory_space<hbm>>
      tpu.wait_dma2 semaphore(%run_scoped3A_112 : memref<!tpu.dma_semaphore, #tpu.memory_space<semaphore_mem>>) src(%arg11 : memref<128x128xf32, #tpu.memory_space<vmem>>) dst(%dma_wait3A_120 : memref<128x128xf32, #tpu.memory_space<hbm>>)
      tpu.yield
    }) : () -> ()
    %dma_start3A_63 = arith.constant 640 : i32
    %dma_start3A_64 = tpu.memref_slice %arg9[%dma_start3A_63] : memref<1024xi32, #tpu.memory_space<vmem>> -> memref<128xi32, #tpu.memory_space<vmem>>
    %dma_start3A_65 = arith.constant 0 : i32
    %dma_start3A_66 = arith.constant 0 : i32
    %dma_start3A_67 = tpu.memref_slice %arg2[%dma_start3A_65, %dma_start3A_66] : memref<1024x128xf32, #tpu.memory_space<hbm>> -> memref<1024x128xf32, #tpu.memory_space<hbm>>
    tpu.enqueue_indirect_dma source(%dma_start3A_67 : memref<1024x128xf32, #tpu.memory_space<hbm>>) target(%arg11 : memref<128x128xf32, #tpu.memory_space<vmem>>) offsets(%dma_start3A_64 : memref<128xi32, #tpu.memory_space<vmem>>) semaphore(%arg14 : memref<!tpu.dma_semaphore, #tpu.memory_space<semaphore_mem>>)
    %dma_wait3A_68 = arith.constant 640 : i32
    %dma_wait3A_69 = tpu.memref_slice %arg9[%dma_wait3A_68] : memref<1024xi32, #tpu.memory_space<vmem>> -> memref<128xi32, #tpu.memory_space<vmem>>
    %dma_wait3A_70 = arith.constant 0 : i32
    %dma_wait3A_71 = arith.constant 0 : i32
    %dma_wait3A_72 = tpu.memref_slice %arg2[%dma_wait3A_70, %dma_wait3A_71] : memref<1024x128xf32, #tpu.memory_space<hbm>> -> memref<1024x128xf32, #tpu.memory_space<hbm>>
    tpu.wait_indirect_dma semaphore(%arg14 : memref<!tpu.dma_semaphore, #tpu.memory_space<semaphore_mem>>) src(%dma_wait3A_72 : memref<1024x128xf32, #tpu.memory_space<hbm>>) dst(%arg11 : memref<128x128xf32, #tpu.memory_space<vmem>>)
    %add3A_73 = arith.constant 640 : i32
    %add3A_74 = arith.addi %mul3A_2, %add3A_73 : i32
    "tpu.region"() ({
      %run_scoped3A_112 = tpu.sem_alloc : memref<!tpu.dma_semaphore, #tpu.memory_space<semaphore_mem>>
      %dma_start3A_113 = arith.constant 0 : i32
      %dma_start3A_114 = tpu.memref_slice %arg7[%add3A_74, %dma_start3A_113] : memref<32768x128xf32, #tpu.memory_space<hbm>> -> memref<128x128xf32, #tpu.memory_space<hbm>>
      %dma_start3A_115 = arith.constant 0 : i32
      %dma_start3A_116 = tpu.memref_slice %arg7[%add3A_74, %dma_start3A_115] : memref<32768x128xf32, #tpu.memory_space<hbm>> -> memref<128x128xf32, #tpu.memory_space<hbm>>
      tpu.enqueue_dma source(%arg11 : memref<128x128xf32, #tpu.memory_space<vmem>>) target(%dma_start3A_116 : memref<128x128xf32, #tpu.memory_space<hbm>>) target_semaphore(%run_scoped3A_112 : memref<!tpu.dma_semaphore, #tpu.memory_space<semaphore_mem>>)
      %dma_wait3A_117 = arith.constant 0 : i32
      %dma_wait3A_118 = tpu.memref_slice %arg7[%add3A_74, %dma_wait3A_117] : memref<32768x128xf32, #tpu.memory_space<hbm>> -> memref<128x128xf32, #tpu.memory_space<hbm>>
      %dma_wait3A_119 = arith.constant 0 : i32
      %dma_wait3A_120 = tpu.memref_slice %arg7[%add3A_74, %dma_wait3A_119] : memref<32768x128xf32, #tpu.memory_space<hbm>> -> memref<128x128xf32, #tpu.memory_space<hbm>>
      tpu.wait_dma2 semaphore(%run_scoped3A_112 : memref<!tpu.dma_semaphore, #tpu.memory_space<semaphore_mem>>) src(%arg11 : memref<128x128xf32, #tpu.memory_space<vmem>>) dst(%dma_wait3A_120 : memref<128x128xf32, #tpu.memory_space<hbm>>)
      tpu.yield
    }) : () -> ()
    %dma_start3A_75 = arith.constant 768 : i32
    %dma_start3A_76 = tpu.memref_slice %arg9[%dma_start3A_75] : memref<1024xi32, #tpu.memory_space<vmem>> -> memref<128xi32, #tpu.memory_space<vmem>>
    %dma_start3A_77 = arith.constant 0 : i32
    %dma_start3A_78 = arith.constant 0 : i32
    %dma_start3A_79 = tpu.memref_slice %arg2[%dma_start3A_77, %dma_start3A_78] : memref<1024x128xf32, #tpu.memory_space<hbm>> -> memref<1024x128xf32, #tpu.memory_space<hbm>>
    tpu.enqueue_indirect_dma source(%dma_start3A_79 : memref<1024x128xf32, #tpu.memory_space<hbm>>) target(%arg11 : memref<128x128xf32, #tpu.memory_space<vmem>>) offsets(%dma_start3A_76 : memref<128xi32, #tpu.memory_space<vmem>>) semaphore(%arg14 : memref<!tpu.dma_semaphore, #tpu.memory_space<semaphore_mem>>)
    %dma_wait3A_80 = arith.constant 768 : i32
    %dma_wait3A_81 = tpu.memref_slice %arg9[%dma_wait3A_80] : memref<1024xi32, #tpu.memory_space<vmem>> -> memref<128xi32, #tpu.memory_space<vmem>>
    %dma_wait3A_82 = arith.constant 0 : i32
    %dma_wait3A_83 = arith.constant 0 : i32
    %dma_wait3A_84 = tpu.memref_slice %arg2[%dma_wait3A_82, %dma_wait3A_83] : memref<1024x128xf32, #tpu.memory_space<hbm>> -> memref<1024x128xf32, #tpu.memory_space<hbm>>
    tpu.wait_indirect_dma semaphore(%arg14 : memref<!tpu.dma_semaphore, #tpu.memory_space<semaphore_mem>>) src(%dma_wait3A_84 : memref<1024x128xf32, #tpu.memory_space<hbm>>) dst(%arg11 : memref<128x128xf32, #tpu.memory_space<vmem>>)
    %add3A_85 = arith.constant 768 : i32
    %add3A_86 = arith.addi %mul3A_2, %add3A_85 : i32
    "tpu.region"() ({
      %run_scoped3A_112 = tpu.sem_alloc : memref<!tpu.dma_semaphore, #tpu.memory_space<semaphore_mem>>
      %dma_start3A_113 = arith.constant 0 : i32
      %dma_start3A_114 = tpu.memref_slice %arg7[%add3A_86, %dma_start3A_113] : memref<32768x128xf32, #tpu.memory_space<hbm>> -> memref<128x128xf32, #tpu.memory_space<hbm>>
      %dma_start3A_115 = arith.constant 0 : i32
      %dma_start3A_116 = tpu.memref_slice %arg7[%add3A_86, %dma_start3A_115] : memref<32768x128xf32, #tpu.memory_space<hbm>> -> memref<128x128xf32, #tpu.memory_space<hbm>>
      tpu.enqueue_dma source(%arg11 : memref<128x128xf32, #tpu.memory_space<vmem>>) target(%dma_start3A_116 : memref<128x128xf32, #tpu.memory_space<hbm>>) target_semaphore(%run_scoped3A_112 : memref<!tpu.dma_semaphore, #tpu.memory_space<semaphore_mem>>)
      %dma_wait3A_117 = arith.constant 0 : i32
      %dma_wait3A_118 = tpu.memref_slice %arg7[%add3A_86, %dma_wait3A_117] : memref<32768x128xf32, #tpu.memory_space<hbm>> -> memref<128x128xf32, #tpu.memory_space<hbm>>
      %dma_wait3A_119 = arith.constant 0 : i32
      %dma_wait3A_120 = tpu.memref_slice %arg7[%add3A_86, %dma_wait3A_119] : memref<32768x128xf32, #tpu.memory_space<hbm>> -> memref<128x128xf32, #tpu.memory_space<hbm>>
      tpu.wait_dma2 semaphore(%run_scoped3A_112 : memref<!tpu.dma_semaphore, #tpu.memory_space<semaphore_mem>>) src(%arg11 : memref<128x128xf32, #tpu.memory_space<vmem>>) dst(%dma_wait3A_120 : memref<128x128xf32, #tpu.memory_space<hbm>>)
      tpu.yield
    }) : () -> ()
    %dma_start3A_87 = arith.constant 896 : i32
    %dma_start3A_88 = tpu.memref_slice %arg9[%dma_start3A_87] : memref<1024xi32, #tpu.memory_space<vmem>> -> memref<128xi32, #tpu.memory_space<vmem>>
    %dma_start3A_89 = arith.constant 0 : i32
    %dma_start3A_90 = arith.constant 0 : i32
    %dma_start3A_91 = tpu.memref_slice %arg2[%dma_start3A_89, %dma_start3A_90] : memref<1024x128xf32, #tpu.memory_space<hbm>> -> memref<1024x128xf32, #tpu.memory_space<hbm>>
    tpu.enqueue_indirect_dma source(%dma_start3A_91 : memref<1024x128xf32, #tpu.memory_space<hbm>>) target(%arg11 : memref<128x128xf32, #tpu.memory_space<vmem>>) offsets(%dma_start3A_88 : memref<128xi32, #tpu.memory_space<vmem>>) semaphore(%arg14 : memref<!tpu.dma_semaphore, #tpu.memory_space<semaphore_mem>>)
    %dma_wait3A_92 = arith.constant 896 : i32
    %dma_wait3A_93 = tpu.memref_slice %arg9[%dma_wait3A_92] : memref<1024xi32, #tpu.memory_space<vmem>> -> memref<128xi32, #tpu.memory_space<vmem>>
    %dma_wait3A_94 = arith.constant 0 : i32
    %dma_wait3A_95 = arith.constant 0 : i32
    %dma_wait3A_96 = tpu.memref_slice %arg2[%dma_wait3A_94, %dma_wait3A_95] : memref<1024x128xf32, #tpu.memory_space<hbm>> -> memref<1024x128xf32, #tpu.memory_space<hbm>>
    tpu.wait_indirect_dma semaphore(%arg14 : memref<!tpu.dma_semaphore, #tpu.memory_space<semaphore_mem>>) src(%dma_wait3A_96 : memref<1024x128xf32, #tpu.memory_space<hbm>>) dst(%arg11 : memref<128x128xf32, #tpu.memory_space<vmem>>)
    %add3A_97 = arith.constant 896 : i32
    %add3A_98 = arith.addi %mul3A_2, %add3A_97 : i32
    "tpu.region"() ({
      %run_scoped3A_112 = tpu.sem_alloc : memref<!tpu.dma_semaphore, #tpu.memory_space<semaphore_mem>>
      %dma_start3A_113 = arith.constant 0 : i32
      %dma_start3A_114 = tpu.memref_slice %arg7[%add3A_98, %dma_start3A_113] : memref<32768x128xf32, #tpu.memory_space<hbm>> -> memref<128x128xf32, #tpu.memory_space<hbm>>
      %dma_start3A_115 = arith.constant 0 : i32
      %dma_start3A_116 = tpu.memref_slice %arg7[%add3A_98, %dma_start3A_115] : memref<32768x128xf32, #tpu.memory_space<hbm>> -> memref<128x128xf32, #tpu.memory_space<hbm>>
      tpu.enqueue_dma source(%arg11 : memref<128x128xf32, #tpu.memory_space<vmem>>) target(%dma_start3A_116 : memref<128x128xf32, #tpu.memory_space<hbm>>) target_semaphore(%run_scoped3A_112 : memref<!tpu.dma_semaphore, #tpu.memory_space<semaphore_mem>>)
      %dma_wait3A_117 = arith.constant 0 : i32
      %dma_wait3A_118 = tpu.memref_slice %arg7[%add3A_98, %dma_wait3A_117] : memref<32768x128xf32, #tpu.memory_space<hbm>> -> memref<128x128xf32, #tpu.memory_space<hbm>>
      %dma_wait3A_119 = arith.constant 0 : i32
      %dma_wait3A_120 = tpu.memref_slice %arg7[%add3A_98, %dma_wait3A_119] : memref<32768x128xf32, #tpu.memory_space<hbm>> -> memref<128x128xf32, #tpu.memory_space<hbm>>
      tpu.wait_dma2 semaphore(%run_scoped3A_112 : memref<!tpu.dma_semaphore, #tpu.memory_space<semaphore_mem>>) src(%arg11 : memref<128x128xf32, #tpu.memory_space<vmem>>) dst(%dma_wait3A_120 : memref<128x128xf32, #tpu.memory_space<hbm>>)
      tpu.yield
    }) : () -> ()
    %barrier3A = arith.constant 0 : index
    tpu.barrier barrier_id(%barrier3A)
    %run_scoped3A = arith.constant 0 : i32
    "tpu.region"() ({
      %run_scoped3A_112 = tpu.sem_alloc : memref<!tpu.dma_semaphore, #tpu.memory_space<semaphore_mem>>
      %dma_start3A_113 = arith.constant 0 : i32
      %dma_start3A_114 = tpu.memref_slice %arg10[%run_scoped3A, %dma_start3A_113] : memref<8x128xi32, #tpu.memory_space<vmem>> -> memref<1x128xi32, #tpu.memory_space<vmem>>
      %dma_start3A_115 = tpu.memref_squeeze %dma_start3A_114 : memref<1x128xi32, #tpu.memory_space<vmem>> -> memref<128xi32, #tpu.memory_space<vmem>>
      %dma_start3A_116 = arith.constant 0 : i32
      %dma_start3A_117 = arith.constant 0 : i32
      %dma_start3A_118 = tpu.memref_slice %arg13[%dma_start3A_116, %dma_start3A_117] : memref<1024x128xf32, #tpu.memory_space<vmem_shared>> -> memref<1024x128xf32, #tpu.memory_space<vmem_shared>>
      tpu.enqueue_indirect_dma source(%arg12 : memref<128x128xf32, #tpu.memory_space<vmem>>) target(%dma_start3A_118 : memref<1024x128xf32, #tpu.memory_space<vmem_shared>>) offsets(%dma_start3A_115 : memref<128xi32, #tpu.memory_space<vmem>>) semaphore(%run_scoped3A_112 : memref<!tpu.dma_semaphore, #tpu.memory_space<semaphore_mem>>) {add = true}
      %dma_wait3A_119 = arith.constant 0 : i32
      %dma_wait3A_120 = tpu.memref_slice %arg10[%run_scoped3A, %dma_wait3A_119] : memref<8x128xi32, #tpu.memory_space<vmem>> -> memref<1x128xi32, #tpu.memory_space<vmem>>
      %dma_wait3A_121 = tpu.memref_squeeze %dma_wait3A_120 : memref<1x128xi32, #tpu.memory_space<vmem>> -> memref<128xi32, #tpu.memory_space<vmem>>
      %dma_wait3A_122 = arith.constant 0 : i32
      %dma_wait3A_123 = arith.constant 0 : i32
      %dma_wait3A_124 = tpu.memref_slice %arg13[%dma_wait3A_122, %dma_wait3A_123] : memref<1024x128xf32, #tpu.memory_space<vmem_shared>> -> memref<1024x128xf32, #tpu.memory_space<vmem_shared>>
      tpu.wait_indirect_dma semaphore(%run_scoped3A_112 : memref<!tpu.dma_semaphore, #tpu.memory_space<semaphore_mem>>) src(%arg12 : memref<128x128xf32, #tpu.memory_space<vmem>>) dst(%dma_wait3A_124 : memref<1024x128xf32, #tpu.memory_space<vmem_shared>>)
      tpu.yield
    }) : () -> ()
    %run_scoped3A_99 = arith.constant 1 : i32
    "tpu.region"() ({
      %run_scoped3A_112 = tpu.sem_alloc : memref<!tpu.dma_semaphore, #tpu.memory_space<semaphore_mem>>
      %dma_start3A_113 = arith.constant 0 : i32
      %dma_start3A_114 = tpu.memref_slice %arg10[%run_scoped3A_99, %dma_start3A_113] : memref<8x128xi32, #tpu.memory_space<vmem>> -> memref<1x128xi32, #tpu.memory_space<vmem>>
      %dma_start3A_115 = tpu.memref_squeeze %dma_start3A_114 : memref<1x128xi32, #tpu.memory_space<vmem>> -> memref<128xi32, #tpu.memory_space<vmem>>
      %dma_start3A_116 = arith.constant 0 : i32
      %dma_start3A_117 = arith.constant 0 : i32
      %dma_start3A_118 = tpu.memref_slice %arg13[%dma_start3A_116, %dma_start3A_117] : memref<1024x128xf32, #tpu.memory_space<vmem_shared>> -> memref<1024x128xf32, #tpu.memory_space<vmem_shared>>
      tpu.enqueue_indirect_dma source(%arg12 : memref<128x128xf32, #tpu.memory_space<vmem>>) target(%dma_start3A_118 : memref<1024x128xf32, #tpu.memory_space<vmem_shared>>) offsets(%dma_start3A_115 : memref<128xi32, #tpu.memory_space<vmem>>) semaphore(%run_scoped3A_112 : memref<!tpu.dma_semaphore, #tpu.memory_space<semaphore_mem>>) {add = true}
      %dma_wait3A_119 = arith.constant 0 : i32
      %dma_wait3A_120 = tpu.memref_slice %arg10[%run_scoped3A_99, %dma_wait3A_119] : memref<8x128xi32, #tpu.memory_space<vmem>> -> memref<1x128xi32, #tpu.memory_space<vmem>>
      %dma_wait3A_121 = tpu.memref_squeeze %dma_wait3A_120 : memref<1x128xi32, #tpu.memory_space<vmem>> -> memref<128xi32, #tpu.memory_space<vmem>>
      %dma_wait3A_122 = arith.constant 0 : i32
      %dma_wait3A_123 = arith.constant 0 : i32
      %dma_wait3A_124 = tpu.memref_slice %arg13[%dma_wait3A_122, %dma_wait3A_123] : memref<1024x128xf32, #tpu.memory_space<vmem_shared>> -> memref<1024x128xf32, #tpu.memory_space<vmem_shared>>
      tpu.wait_indirect_dma semaphore(%run_scoped3A_112 : memref<!tpu.dma_semaphore, #tpu.memory_space<semaphore_mem>>) src(%arg12 : memref<128x128xf32, #tpu.memory_space<vmem>>) dst(%dma_wait3A_124 : memref<1024x128xf32, #tpu.memory_space<vmem_shared>>)
      tpu.yield
    }) : () -> ()
    %run_scoped3A_100 = arith.constant 2 : i32
    "tpu.region"() ({
      %run_scoped3A_112 = tpu.sem_alloc : memref<!tpu.dma_semaphore, #tpu.memory_space<semaphore_mem>>
      %dma_start3A_113 = arith.constant 0 : i32
      %dma_start3A_114 = tpu.memref_slice %arg10[%run_scoped3A_100, %dma_start3A_113] : memref<8x128xi32, #tpu.memory_space<vmem>> -> memref<1x128xi32, #tpu.memory_space<vmem>>
      %dma_start3A_115 = tpu.memref_squeeze %dma_start3A_114 : memref<1x128xi32, #tpu.memory_space<vmem>> -> memref<128xi32, #tpu.memory_space<vmem>>
      %dma_start3A_116 = arith.constant 0 : i32
      %dma_start3A_117 = arith.constant 0 : i32
      %dma_start3A_118 = tpu.memref_slice %arg13[%dma_start3A_116, %dma_start3A_117] : memref<1024x128xf32, #tpu.memory_space<vmem_shared>> -> memref<1024x128xf32, #tpu.memory_space<vmem_shared>>
      tpu.enqueue_indirect_dma source(%arg12 : memref<128x128xf32, #tpu.memory_space<vmem>>) target(%dma_start3A_118 : memref<1024x128xf32, #tpu.memory_space<vmem_shared>>) offsets(%dma_start3A_115 : memref<128xi32, #tpu.memory_space<vmem>>) semaphore(%run_scoped3A_112 : memref<!tpu.dma_semaphore, #tpu.memory_space<semaphore_mem>>) {add = true}
      %dma_wait3A_119 = arith.constant 0 : i32
      %dma_wait3A_120 = tpu.memref_slice %arg10[%run_scoped3A_100, %dma_wait3A_119] : memref<8x128xi32, #tpu.memory_space<vmem>> -> memref<1x128xi32, #tpu.memory_space<vmem>>
      %dma_wait3A_121 = tpu.memref_squeeze %dma_wait3A_120 : memref<1x128xi32, #tpu.memory_space<vmem>> -> memref<128xi32, #tpu.memory_space<vmem>>
      %dma_wait3A_122 = arith.constant 0 : i32
      %dma_wait3A_123 = arith.constant 0 : i32
      %dma_wait3A_124 = tpu.memref_slice %arg13[%dma_wait3A_122, %dma_wait3A_123] : memref<1024x128xf32, #tpu.memory_space<vmem_shared>> -> memref<1024x128xf32, #tpu.memory_space<vmem_shared>>
      tpu.wait_indirect_dma semaphore(%run_scoped3A_112 : memref<!tpu.dma_semaphore, #tpu.memory_space<semaphore_mem>>) src(%arg12 : memref<128x128xf32, #tpu.memory_space<vmem>>) dst(%dma_wait3A_124 : memref<1024x128xf32, #tpu.memory_space<vmem_shared>>)
      tpu.yield
    }) : () -> ()
    %run_scoped3A_101 = arith.constant 3 : i32
    "tpu.region"() ({
      %run_scoped3A_112 = tpu.sem_alloc : memref<!tpu.dma_semaphore, #tpu.memory_space<semaphore_mem>>
      %dma_start3A_113 = arith.constant 0 : i32
      %dma_start3A_114 = tpu.memref_slice %arg10[%run_scoped3A_101, %dma_start3A_113] : memref<8x128xi32, #tpu.memory_space<vmem>> -> memref<1x128xi32, #tpu.memory_space<vmem>>
      %dma_start3A_115 = tpu.memref_squeeze %dma_start3A_114 : memref<1x128xi32, #tpu.memory_space<vmem>> -> memref<128xi32, #tpu.memory_space<vmem>>
      %dma_start3A_116 = arith.constant 0 : i32
      %dma_start3A_117 = arith.constant 0 : i32
      %dma_start3A_118 = tpu.memref_slice %arg13[%dma_start3A_116, %dma_start3A_117] : memref<1024x128xf32, #tpu.memory_space<vmem_shared>> -> memref<1024x128xf32, #tpu.memory_space<vmem_shared>>
      tpu.enqueue_indirect_dma source(%arg12 : memref<128x128xf32, #tpu.memory_space<vmem>>) target(%dma_start3A_118 : memref<1024x128xf32, #tpu.memory_space<vmem_shared>>) offsets(%dma_start3A_115 : memref<128xi32, #tpu.memory_space<vmem>>) semaphore(%run_scoped3A_112 : memref<!tpu.dma_semaphore, #tpu.memory_space<semaphore_mem>>) {add = true}
      %dma_wait3A_119 = arith.constant 0 : i32
      %dma_wait3A_120 = tpu.memref_slice %arg10[%run_scoped3A_101, %dma_wait3A_119] : memref<8x128xi32, #tpu.memory_space<vmem>> -> memref<1x128xi32, #tpu.memory_space<vmem>>
      %dma_wait3A_121 = tpu.memref_squeeze %dma_wait3A_120 : memref<1x128xi32, #tpu.memory_space<vmem>> -> memref<128xi32, #tpu.memory_space<vmem>>
      %dma_wait3A_122 = arith.constant 0 : i32
      %dma_wait3A_123 = arith.constant 0 : i32
      %dma_wait3A_124 = tpu.memref_slice %arg13[%dma_wait3A_122, %dma_wait3A_123] : memref<1024x128xf32, #tpu.memory_space<vmem_shared>> -> memref<1024x128xf32, #tpu.memory_space<vmem_shared>>
      tpu.wait_indirect_dma semaphore(%run_scoped3A_112 : memref<!tpu.dma_semaphore, #tpu.memory_space<semaphore_mem>>) src(%arg12 : memref<128x128xf32, #tpu.memory_space<vmem>>) dst(%dma_wait3A_124 : memref<1024x128xf32, #tpu.memory_space<vmem_shared>>)
      tpu.yield
    }) : () -> ()
    %run_scoped3A_102 = arith.constant 4 : i32
    "tpu.region"() ({
      %run_scoped3A_112 = tpu.sem_alloc : memref<!tpu.dma_semaphore, #tpu.memory_space<semaphore_mem>>
      %dma_start3A_113 = arith.constant 0 : i32
      %dma_start3A_114 = tpu.memref_slice %arg10[%run_scoped3A_102, %dma_start3A_113] : memref<8x128xi32, #tpu.memory_space<vmem>> -> memref<1x128xi32, #tpu.memory_space<vmem>>
      %dma_start3A_115 = tpu.memref_squeeze %dma_start3A_114 : memref<1x128xi32, #tpu.memory_space<vmem>> -> memref<128xi32, #tpu.memory_space<vmem>>
      %dma_start3A_116 = arith.constant 0 : i32
      %dma_start3A_117 = arith.constant 0 : i32
      %dma_start3A_118 = tpu.memref_slice %arg13[%dma_start3A_116, %dma_start3A_117] : memref<1024x128xf32, #tpu.memory_space<vmem_shared>> -> memref<1024x128xf32, #tpu.memory_space<vmem_shared>>
      tpu.enqueue_indirect_dma source(%arg12 : memref<128x128xf32, #tpu.memory_space<vmem>>) target(%dma_start3A_118 : memref<1024x128xf32, #tpu.memory_space<vmem_shared>>) offsets(%dma_start3A_115 : memref<128xi32, #tpu.memory_space<vmem>>) semaphore(%run_scoped3A_112 : memref<!tpu.dma_semaphore, #tpu.memory_space<semaphore_mem>>) {add = true}
      %dma_wait3A_119 = arith.constant 0 : i32
      %dma_wait3A_120 = tpu.memref_slice %arg10[%run_scoped3A_102, %dma_wait3A_119] : memref<8x128xi32, #tpu.memory_space<vmem>> -> memref<1x128xi32, #tpu.memory_space<vmem>>
      %dma_wait3A_121 = tpu.memref_squeeze %dma_wait3A_120 : memref<1x128xi32, #tpu.memory_space<vmem>> -> memref<128xi32, #tpu.memory_space<vmem>>
      %dma_wait3A_122 = arith.constant 0 : i32
      %dma_wait3A_123 = arith.constant 0 : i32
      %dma_wait3A_124 = tpu.memref_slice %arg13[%dma_wait3A_122, %dma_wait3A_123] : memref<1024x128xf32, #tpu.memory_space<vmem_shared>> -> memref<1024x128xf32, #tpu.memory_space<vmem_shared>>
      tpu.wait_indirect_dma semaphore(%run_scoped3A_112 : memref<!tpu.dma_semaphore, #tpu.memory_space<semaphore_mem>>) src(%arg12 : memref<128x128xf32, #tpu.memory_space<vmem>>) dst(%dma_wait3A_124 : memref<1024x128xf32, #tpu.memory_space<vmem_shared>>)
      tpu.yield
    }) : () -> ()
    %run_scoped3A_103 = arith.constant 5 : i32
    "tpu.region"() ({
      %run_scoped3A_112 = tpu.sem_alloc : memref<!tpu.dma_semaphore, #tpu.memory_space<semaphore_mem>>
      %dma_start3A_113 = arith.constant 0 : i32
      %dma_start3A_114 = tpu.memref_slice %arg10[%run_scoped3A_103, %dma_start3A_113] : memref<8x128xi32, #tpu.memory_space<vmem>> -> memref<1x128xi32, #tpu.memory_space<vmem>>
      %dma_start3A_115 = tpu.memref_squeeze %dma_start3A_114 : memref<1x128xi32, #tpu.memory_space<vmem>> -> memref<128xi32, #tpu.memory_space<vmem>>
      %dma_start3A_116 = arith.constant 0 : i32
      %dma_start3A_117 = arith.constant 0 : i32
      %dma_start3A_118 = tpu.memref_slice %arg13[%dma_start3A_116, %dma_start3A_117] : memref<1024x128xf32, #tpu.memory_space<vmem_shared>> -> memref<1024x128xf32, #tpu.memory_space<vmem_shared>>
      tpu.enqueue_indirect_dma source(%arg12 : memref<128x128xf32, #tpu.memory_space<vmem>>) target(%dma_start3A_118 : memref<1024x128xf32, #tpu.memory_space<vmem_shared>>) offsets(%dma_start3A_115 : memref<128xi32, #tpu.memory_space<vmem>>) semaphore(%run_scoped3A_112 : memref<!tpu.dma_semaphore, #tpu.memory_space<semaphore_mem>>) {add = true}
      %dma_wait3A_119 = arith.constant 0 : i32
      %dma_wait3A_120 = tpu.memref_slice %arg10[%run_scoped3A_103, %dma_wait3A_119] : memref<8x128xi32, #tpu.memory_space<vmem>> -> memref<1x128xi32, #tpu.memory_space<vmem>>
      %dma_wait3A_121 = tpu.memref_squeeze %dma_wait3A_120 : memref<1x128xi32, #tpu.memory_space<vmem>> -> memref<128xi32, #tpu.memory_space<vmem>>
      %dma_wait3A_122 = arith.constant 0 : i32
      %dma_wait3A_123 = arith.constant 0 : i32
      %dma_wait3A_124 = tpu.memref_slice %arg13[%dma_wait3A_122, %dma_wait3A_123] : memref<1024x128xf32, #tpu.memory_space<vmem_shared>> -> memref<1024x128xf32, #tpu.memory_space<vmem_shared>>
      tpu.wait_indirect_dma semaphore(%run_scoped3A_112 : memref<!tpu.dma_semaphore, #tpu.memory_space<semaphore_mem>>) src(%arg12 : memref<128x128xf32, #tpu.memory_space<vmem>>) dst(%dma_wait3A_124 : memref<1024x128xf32, #tpu.memory_space<vmem_shared>>)
      tpu.yield
    }) : () -> ()
    %run_scoped3A_104 = arith.constant 6 : i32
    "tpu.region"() ({
      %run_scoped3A_112 = tpu.sem_alloc : memref<!tpu.dma_semaphore, #tpu.memory_space<semaphore_mem>>
      %dma_start3A_113 = arith.constant 0 : i32
      %dma_start3A_114 = tpu.memref_slice %arg10[%run_scoped3A_104, %dma_start3A_113] : memref<8x128xi32, #tpu.memory_space<vmem>> -> memref<1x128xi32, #tpu.memory_space<vmem>>
      %dma_start3A_115 = tpu.memref_squeeze %dma_start3A_114 : memref<1x128xi32, #tpu.memory_space<vmem>> -> memref<128xi32, #tpu.memory_space<vmem>>
      %dma_start3A_116 = arith.constant 0 : i32
      %dma_start3A_117 = arith.constant 0 : i32
      %dma_start3A_118 = tpu.memref_slice %arg13[%dma_start3A_116, %dma_start3A_117] : memref<1024x128xf32, #tpu.memory_space<vmem_shared>> -> memref<1024x128xf32, #tpu.memory_space<vmem_shared>>
      tpu.enqueue_indirect_dma source(%arg12 : memref<128x128xf32, #tpu.memory_space<vmem>>) target(%dma_start3A_118 : memref<1024x128xf32, #tpu.memory_space<vmem_shared>>) offsets(%dma_start3A_115 : memref<128xi32, #tpu.memory_space<vmem>>) semaphore(%run_scoped3A_112 : memref<!tpu.dma_semaphore, #tpu.memory_space<semaphore_mem>>) {add = true}
      %dma_wait3A_119 = arith.constant 0 : i32
      %dma_wait3A_120 = tpu.memref_slice %arg10[%run_scoped3A_104, %dma_wait3A_119] : memref<8x128xi32, #tpu.memory_space<vmem>> -> memref<1x128xi32, #tpu.memory_space<vmem>>
      %dma_wait3A_121 = tpu.memref_squeeze %dma_wait3A_120 : memref<1x128xi32, #tpu.memory_space<vmem>> -> memref<128xi32, #tpu.memory_space<vmem>>
      %dma_wait3A_122 = arith.constant 0 : i32
      %dma_wait3A_123 = arith.constant 0 : i32
      %dma_wait3A_124 = tpu.memref_slice %arg13[%dma_wait3A_122, %dma_wait3A_123] : memref<1024x128xf32, #tpu.memory_space<vmem_shared>> -> memref<1024x128xf32, #tpu.memory_space<vmem_shared>>
      tpu.wait_indirect_dma semaphore(%run_scoped3A_112 : memref<!tpu.dma_semaphore, #tpu.memory_space<semaphore_mem>>) src(%arg12 : memref<128x128xf32, #tpu.memory_space<vmem>>) dst(%dma_wait3A_124 : memref<1024x128xf32, #tpu.memory_space<vmem_shared>>)
      tpu.yield
    }) : () -> ()
    %run_scoped3A_105 = arith.constant 7 : i32
    "tpu.region"() ({
      %run_scoped3A_112 = tpu.sem_alloc : memref<!tpu.dma_semaphore, #tpu.memory_space<semaphore_mem>>
      %dma_start3A_113 = arith.constant 0 : i32
      %dma_start3A_114 = tpu.memref_slice %arg10[%run_scoped3A_105, %dma_start3A_113] : memref<8x128xi32, #tpu.memory_space<vmem>> -> memref<1x128xi32, #tpu.memory_space<vmem>>
      %dma_start3A_115 = tpu.memref_squeeze %dma_start3A_114 : memref<1x128xi32, #tpu.memory_space<vmem>> -> memref<128xi32, #tpu.memory_space<vmem>>
      %dma_start3A_116 = arith.constant 0 : i32
      %dma_start3A_117 = arith.constant 0 : i32
      %dma_start3A_118 = tpu.memref_slice %arg13[%dma_start3A_116, %dma_start3A_117] : memref<1024x128xf32, #tpu.memory_space<vmem_shared>> -> memref<1024x128xf32, #tpu.memory_space<vmem_shared>>
      tpu.enqueue_indirect_dma source(%arg12 : memref<128x128xf32, #tpu.memory_space<vmem>>) target(%dma_start3A_118 : memref<1024x128xf32, #tpu.memory_space<vmem_shared>>) offsets(%dma_start3A_115 : memref<128xi32, #tpu.memory_space<vmem>>) semaphore(%run_scoped3A_112 : memref<!tpu.dma_semaphore, #tpu.memory_space<semaphore_mem>>) {add = true}
      %dma_wait3A_119 = arith.constant 0 : i32
      %dma_wait3A_120 = tpu.memref_slice %arg10[%run_scoped3A_105, %dma_wait3A_119] : memref<8x128xi32, #tpu.memory_space<vmem>> -> memref<1x128xi32, #tpu.memory_space<vmem>>
      %dma_wait3A_121 = tpu.memref_squeeze %dma_wait3A_120 : memref<1x128xi32, #tpu.memory_space<vmem>> -> memref<128xi32, #tpu.memory_space<vmem>>
      %dma_wait3A_122 = arith.constant 0 : i32
      %dma_wait3A_123 = arith.constant 0 : i32
      %dma_wait3A_124 = tpu.memref_slice %arg13[%dma_wait3A_122, %dma_wait3A_123] : memref<1024x128xf32, #tpu.memory_space<vmem_shared>> -> memref<1024x128xf32, #tpu.memory_space<vmem_shared>>
      tpu.wait_indirect_dma semaphore(%run_scoped3A_112 : memref<!tpu.dma_semaphore, #tpu.memory_space<semaphore_mem>>) src(%arg12 : memref<128x128xf32, #tpu.memory_space<vmem>>) dst(%dma_wait3A_124 : memref<1024x128xf32, #tpu.memory_space<vmem_shared>>)
      tpu.yield
    }) : () -> ()
    %barrier3A_106 = arith.constant 0 : index
    tpu.barrier barrier_id(%barrier3A_106)
    %eq3A_107 = arith.constant 0 : i32
    %eq3A_108 = arith.cmpi eq, %arg1, %eq3A_107 : i32
    %convert_element_type3A_109 = arith.extui %eq3A_108 : i1 to i32
    %cond3A_110 = arith.constant 0 : i32
    %cond3A_111 = arith.cmpi ne, %convert_element_type3A_109, %cond3A_110 : i32
    scf.if %cond3A_111 {
      "tpu.region"() ({
        %run_scoped3A_112 = tpu.sem_alloc : memref<!tpu.dma_semaphore, #tpu.memory_space<semaphore_mem>>
        %dma_start3A_113 = arith.constant 0 : i32
        %dma_start3A_114 = arith.constant 0 : i32
        %dma_start3A_115 = tpu.memref_slice %arg8[%arg0, %dma_start3A_113, %dma_start3A_114] : memref<2x1024x128xf32, #tpu.memory_space<hbm>> -> memref<1x1024x128xf32, #tpu.memory_space<hbm>>
        %dma_start3A_116 = tpu.memref_squeeze %dma_start3A_115 : memref<1x1024x128xf32, #tpu.memory_space<hbm>> -> memref<1024x128xf32, #tpu.memory_space<hbm>>
        tpu.enqueue_dma source(%arg13 : memref<1024x128xf32, #tpu.memory_space<vmem_shared>>) target(%dma_start3A_116 : memref<1024x128xf32, #tpu.memory_space<hbm>>) target_semaphore(%run_scoped3A_112 : memref<!tpu.dma_semaphore, #tpu.memory_space<semaphore_mem>>)
        %dma_wait3A_117 = arith.constant 0 : i32
        %dma_wait3A_118 = arith.constant 0 : i32
        %dma_wait3A_119 = tpu.memref_slice %arg8[%arg0, %dma_wait3A_117, %dma_wait3A_118] : memref<2x1024x128xf32, #tpu.memory_space<hbm>> -> memref<1x1024x128xf32, #tpu.memory_space<hbm>>
        %dma_wait3A_120 = tpu.memref_squeeze %dma_wait3A_119 : memref<1x1024x128xf32, #tpu.memory_space<hbm>> -> memref<1024x128xf32, #tpu.memory_space<hbm>>
        tpu.wait_dma2 semaphore(%run_scoped3A_112 : memref<!tpu.dma_semaphore, #tpu.memory_space<semaphore_mem>>) src(%arg13 : memref<1024x128xf32, #tpu.memory_space<vmem_shared>>) dst(%dma_wait3A_120 : memref<1024x128xf32, #tpu.memory_space<hbm>>)
        tpu.yield
      }) : () -> ()
    } else {
    }
    return
  }
}

module attributes {stable_mosaic.version = 14 : i64} {
  func.func @_vq_block(%arg0: i32, %arg1: memref<2048x64xf32, #tpu.memory_space<vmem>>, %arg2: memref<1024x64xf32, #tpu.memory_space<vmem>>, %arg3: memref<1x1x2048xi32, #tpu.memory_space<vmem>>, %arg4: memref<1x1x128xf32, #tpu.memory_space<vmem>>) attributes {dimension_semantics = [#tpu.dimension_semantics<arbitrary>], iteration_bounds = array<i64: 16>, scalar_prefetch = 0 : i64, scratch_operands = 0 : i64, tpu.core_type = #tpu.core_type<tc>, window_params = [{transform_indices = @transform_0, window_bounds = array<i64: 2048, 64>}, {pipeline_mode = #tpu.pipeline_mode<synchronous>, transform_indices = @transform_1, window_bounds = array<i64: 1024, 64>}, {transform_indices = @transform_2, window_bounds = array<i64: 1, 1, 2048>}, {transform_indices = @transform_3, window_bounds = array<i64: 1, 1, 128>}]} {
    %get3A = arith.constant 0 : index
    %get3A_0 = arith.constant 0 : index
    %get3A_1 = vector.load %arg1[%get3A, %get3A_0] : memref<2048x64xf32, #tpu.memory_space<vmem>>, vector<2048x64xf32>
    %get3A_2 = arith.constant 0 : index
    %get3A_3 = arith.constant 0 : index
    %get3A_4 = vector.load %arg2[%get3A_2, %get3A_3] : memref<1024x64xf32, #tpu.memory_space<vmem>>, vector<1024x64xf32>
    %mul3A = arith.constant -2.000000e+00 : f32
    %mul3A_5 = vector.broadcast %mul3A : f32 to vector<1024x64xf32>
    %mul3A_6 = arith.mulf %get3A_4, %mul3A_5 : vector<1024x64xf32>
    %dot_general3A = arith.constant dense<0.000000e+00> : vector<2048x1024xf32>
    %dot_general3A_7 = tpu.matmul %get3A_1, %mul3A_6, %dot_general3A {dimension_numbers = #tpu.dot_dimension_numbers<[1], [1], [0], [0], [0, 0, 1, 0], [], []>, transpose_lhs_hint = false} : vector<2048x64xf32>, vector<1024x64xf32>, vector<2048x1024xf32> -> vector<2048x1024xf32>
    %mul3A_8 = arith.mulf %get3A_1, %get3A_1 : vector<2048x64xf32>
    %reduce_sum3A = arith.constant dense<0.000000e+00> : vector<2048xf32>
    %reduce_sum3A_9 = vector.multi_reduction <add>, %mul3A_8, %reduce_sum3A [1] : vector<2048x64xf32> to vector<2048xf32>
    %broadcast_in_dim3A = vector.shape_cast %reduce_sum3A_9 : vector<2048xf32> to vector<2048x1xf32>
    %mul3A_10 = arith.mulf %get3A_4, %get3A_4 : vector<1024x64xf32>
    %reduce_sum3A_11 = arith.constant dense<0.000000e+00> : vector<1024xf32>
    %reduce_sum3A_12 = vector.multi_reduction <add>, %mul3A_10, %reduce_sum3A_11 [1] : vector<1024x64xf32> to vector<1024xf32>
    %broadcast_in_dim3A_13 = vector.shape_cast %reduce_sum3A_12 : vector<1024xf32> to vector<1x1024xf32>
    %add3A = vector.broadcast %broadcast_in_dim3A : vector<2048x1xf32> to vector<2048x1024xf32>
    %add3A_14 = vector.broadcast %broadcast_in_dim3A_13 : vector<1x1024xf32> to vector<2048x1024xf32>
    %add3A_15 = arith.addf %add3A, %add3A_14 : vector<2048x1024xf32>
    %add3A_16 = arith.addf %add3A_15, %dot_general3A_7 : vector<2048x1024xf32>
    %reduce_min3A = arith.constant dense<0x7F800000> : vector<2048xf32>
    %reduce_min3A_17 = vector.multi_reduction <minimumf>, %add3A_16, %reduce_min3A [1] : vector<2048x1024xf32> to vector<2048xf32>
    %broadcast_in_dim3A_18 = vector.shape_cast %reduce_min3A_17 : vector<2048xf32> to vector<2048x1xf32>
    %iota3A = tpu.iota {dimensions = array<i32: 1>} : vector<2048x1024xi32>
    %eq3A = vector.broadcast %broadcast_in_dim3A_18 : vector<2048x1xf32> to vector<2048x1024xf32>
    %eq3A_19 = arith.cmpf oeq, %add3A_16, %eq3A : vector<2048x1024xf32>
    %jit3A = arith.constant 1024 : i32
    %broadcast_in_dim3A_20 = vector.broadcast %jit3A : i32 to vector<2048x1024xi32>
    %select_n3A = arith.select %eq3A_19, %iota3A, %broadcast_in_dim3A_20 : vector<2048x1024xi1>, vector<2048x1024xi32>
    %reduce_min3A_21 = arith.constant dense<2147483647> : vector<2048xi32>
    %reduce_min3A_22 = vector.multi_reduction <minsi>, %select_n3A, %reduce_min3A_21 [1] : vector<2048x1024xi32> to vector<2048xi32>
    %broadcast_in_dim3A_23 = vector.shape_cast %reduce_min3A_22 : vector<2048xi32> to vector<1x1x2048xi32>
    %swap3A = arith.constant 0 : index
    %swap3A_24 = arith.constant 0 : index
    %swap3A_25 = arith.constant 0 : index
    %swap3A_26 = vector.load %arg3[%swap3A, %swap3A_24, %swap3A_25] : memref<1x1x2048xi32, #tpu.memory_space<vmem>>, vector<1x1x2048xi32>
    tpu.vector_store %arg3[%swap3A, %swap3A_24, %swap3A_25], %broadcast_in_dim3A_23 {strides = array<i32>} : memref<1x1x2048xi32, #tpu.memory_space<vmem>>, vector<1x1x2048xi32>,
    %reduce_sum3A_27 = vector.shape_cast %broadcast_in_dim3A_18 : vector<2048x1xf32> to vector<1x2048x1xf32>
    %reduce_sum3A_28 = arith.constant dense<0.000000e+00> : vector<1xf32>
    %reduce_sum3A_29 = vector.multi_reduction <add>, %reduce_sum3A_27, %reduce_sum3A_28 [1, 2] : vector<1x2048x1xf32> to vector<1xf32>
    %reduce_sum3A_30 = vector.shape_cast %reduce_sum3A_29 : vector<1xf32> to vector<1x1x1xf32>
    %reduce_sum3A_31 = vector.extract %reduce_sum3A_30[0, 0, 0] : f32 from vector<1x1x1xf32>
    %broadcast_in_dim3A_32 = vector.broadcast %reduce_sum3A_31 : f32 to vector<1x1x128xf32>
    %swap3A_33 = arith.constant 0 : index
    %swap3A_34 = arith.constant 0 : index
    %swap3A_35 = arith.constant 0 : index
    %swap3A_36 = vector.load %arg4[%swap3A_33, %swap3A_34, %swap3A_35] : memref<1x1x128xf32, #tpu.memory_space<vmem>>, vector<1x1x128xf32>
    tpu.vector_store %arg4[%swap3A_33, %swap3A_34, %swap3A_35], %broadcast_in_dim3A_32 {strides = array<i32>} : memref<1x1x128xf32, #tpu.memory_space<vmem>>, vector<1x1x128xf32>,
    return
  }
  func.func @transform_0(%arg0: i32) -> (i32, i32) {
    %c0_i32 = arith.constant 0 : i32
    %c0_i32_0 = arith.constant 0 : i32
    return %arg0, %c0_i32 : i32, i32
  }
  func.func @transform_1(%arg0: i32) -> (i32, i32) {
    %c0_i32 = arith.constant 0 : i32
    %c0_i32_0 = arith.constant 0 : i32
    %c0_i32_1 = arith.constant 0 : i32
    return %c0_i32, %c0_i32_0 : i32, i32
  }
  func.func @transform_2(%arg0: i32) -> (i32, i32, i32) {
    %c0_i32 = arith.constant 0 : i32
    %c0_i32_0 = arith.constant 0 : i32
    %c0_i32_1 = arith.constant 0 : i32
    return %arg0, %c0_i32, %c0_i32_0 : i32, i32, i32
  }
  func.func @transform_3(%arg0: i32) -> (i32, i32, i32) {
    %c0_i32 = arith.constant 0 : i32
    %c0_i32_0 = arith.constant 0 : i32
    %c0_i32_1 = arith.constant 0 : i32
    return %arg0, %c0_i32, %c0_i32_0 : i32, i32, i32
  }
}

</mosaic_0001>

<sc_bundles>
// kernel: kernel.4.cloned.1.call-start
scs
__scs_entry_jumppad:
0x0: {  	(pc) =	sbr.rel $0x88, $3  }
0x1: {  	(tag) =	ssettag $0x0;
	lr =	simm.s32 $0x1  }
0x2: {  	[smem:$0x3F9E] =	sst lr;
	_ =	strace $0xD0000000  }
0x3: {  	_ = 	snop  }
0x4: {  	_ = 	snop  }
0x5: {  	_ = 	snop  }
0x6: {  	_ = 	snop  }
0x7: {  	_ = 	snop  }
__scs_overlays_trampoline_lowered:
0x8: {  	[smem:$0x3FAD] =	sst s0  }
0x9: {  	[smem:$0x3FAE] =	sst s1  }
0xa: {  	[smem:$0x3FAF] =	sst s2  }
0xb: {  	[smem:$0x3FB0] =	sst s3  }
0xc: {  	[smem:$0x3FB1] =	sst s4  }
0xd: {  	[smem:$0x3FB2] =	sst s5  }
0xe: {  	[smem:$0x3FB3] =	sst s6  }
0xf: {  	[smem:$0x3FB4] =	sst s7  }
0x10: {  	[smem:$0x3FB5] =	sst s8  }
0x11: {  	[smem:$0x3FB6] =	sst s9;
	s0 =	simm.s32 @!p0 $0x0  }
0x12: {  	s1 =	sld [smem:$0x3F9C];
	s0 =	simm.s32 @p0 $0x1  }
0x13: {  	[smem:$0x3FB7] =	sst s0;
	s0 =	simm.s32 @!p1 $0x0  }
0x14: {  	s2 =	sld [smem:$0x3F9B];
	s0 =	simm.s32 @p1 $0x1  }
0x15: {  	[smem:$0x3FB8] =	sst s0;
	s0 =	simm.s32 @!p2 $0x0  }
0x16: {  	s3 =	sld [smem:$0x3FDB];
	s0 =	simm.s32 @p2 $0x1  }
0x17: {  	s4 =	simm.s32 $0x1BF5;
	[smem:$0x3FBA] =	sst s0  }
0x18: {  	s0 =	sld [smem:$0x3F9D];
	_ =	swait.ge [sflag:s4], $0x0  }
0x19: {  	s7 =	sld [smem:$0x3F9E]  }
0x1a: {  	s8 =	sadd.s32 $0xFFFFE003, lr  }
0x1b: {  	s9 =	sadd.s32 $0xFFFFFEF7, lr;
	s5 =	simm.s32 $0xFFFFFFFF;
	p2 =	slt.u32 s8, $0xFFFFF086  }
0x1c: {  	p1 =	slt.u32 s9, $0xF7A;
	s5 =	simm.s32 @!p2 $0x0  }
0x1d: {  	s5 =	simm.s32 @p1 $0x1;
	p0 =	seq.s32 s7, s2  }
0x1e: {  	s7 =	smul.u32 @!p0 $0xF7A, s2;
	p2 =	seq.s32 @!p0 s5, $0x0  }
0x1f: {  	s9 =	smul.u32 $0xF7A, s1;
	s8 =	simm.s32 @!p0 $0x1BF5;
	p2 =	por !p2, p0  }
0x20: {  	[sflag:s8] =	ssyncset.s32 @!p0 $0xFFFFF086;
	s6 =	sadd.s32 @!p0 s3, s7;
	s7 =	simm.s32 @!p0 $0x108  }
0x21: {  	s3 =	sadd.s32 s3, s9;
	s6 =	sadd.s32 @!p0 $0x88, s6;
	s7 =	simm.s32 @p2 $0x1082  }
0x22: {  	[simem:s7], [sflag:s8] =	dma.local @!p0 [hbm:s6], $0xF7A  }
0x23: {  	s9 =	sor.u32 $0xD0000000, s2;
	s6 =	simm.s32 $0x108;
	_ =	swait.ge @!p0 [sflag:s8], $0x0  }
0x24: {  	s3 =	sadd.s32 $0x88, s3;
	s6 =	simm.s32 @!p1 $0x1082;
	[sflag:s4] =	ssyncset.s32 $0xFFFFF086  }
0x25: {  	[simem:s6], [sflag:s4] =	dma.local [hbm:s3], $0xF7A  }
0x26: {  	[smem:$0x3F9E] =	sst s1;
	(tag) =	ssettag s2;
	_ =	strace s9  }
0x27: {  	s1 =	sld [smem:$0x3FAE]  }
0x28: {  	s2 =	sld [smem:$0x3FAF]  }
0x29: {  	s4 =	sld [smem:$0x3FB1]  }
0x2a: {  	p0 =	seq.s32 s5, $0x0;
	s5 =	sld [smem:$0x3FB2]  }
0x2b: {  	s6 =	sld [smem:$0x3FB3]  }
0x2c: {  	s7 =	sld [smem:$0x3FB4]  }
0x2d: {  	s3 =	simm.s32 $0x108;
	s8 =	sld [smem:$0x3FB5]  }
0x2e: {  	s3 =	simm.s32 @!p0 $0x1082;
	s9 =	sld [smem:$0x3FB6]  }
0x2f: {  	lr =	sadd.s32 s0, s3;
	s0 =	sld [smem:$0x3FAD]  }
0x30: {  	s3 =	sld [smem:$0x3FB0]  }
0x31: {  	[smem:$0x3FB9] =	sst s10  }
0x32: {  	s10 =	sld [smem:$0x3FB7];
	_ =	sdelay $0x3  }
0x33: {  	p0 =	seq.s32 s10, $0x1;
	s10 =	sld [smem:$0x3FB9];
	_ =	sdelay $0x3  }
0x34: {  	[smem:$0x3FB9] =	sst s10  }
0x35: {  	s10 =	sld [smem:$0x3FB8];
	_ =	sdelay $0x3  }
0x36: {  	p1 =	seq.s32 s10, $0x1;
	s10 =	sld [smem:$0x3FB9];
	_ =	sdelay $0x3  }
0x37: {  	[smem:$0x3FB9] =	sst s10  }
0x38: {  	s10 =	sld [smem:$0x3FBA]  }
0x39: {  	_ = 	snop;
	(pc) =	sbr.ind lr, $3  }
0x3a: {  	_ = 	snop  }
0x3b: {  	_ = 	snop  }
0x3c: {  	p2 =	seq.s32 s10, $0x1;
	s10 =	sld [smem:$0x3FB9]  }
0x3d: {  	_ =	shalt  }
0x3e: {  	_ =	shalt  }
0x3f: {  	_ =	shalt  }
0x40: {  	_ =	shalt  }
0x41: {  	_ =	shalt  }
0x42: {  	_ =	shalt  }
0x43: {  	_ =	shalt  }
0x44: {  	_ =	shalt  }
0x45: {  	_ =	shalt  }
0x46: {  	_ =	shalt  }
0x47: {  	_ =	shalt  }
0x48: {  	_ =	shalt  }
0x49: {  	_ =	shalt  }
0x4a: {  	_ =	shalt  }
0x4b: {  	_ =	shalt  }
0x4c: {  	_ =	shalt  }
0x4d: {  	_ =	shalt  }
0x4e: {  	_ =	shalt  }
0x4f: {  	_ =	shalt  }
0x50: {  	_ =	shalt  }
0x51: {  	_ =	shalt  }
0x52: {  	_ =	shalt  }
0x53: {  	_ =	shalt  }
0x54: {  	_ =	shalt  }
0x55: {  	_ =	shalt  }
0x56: {  	_ =	shalt  }
0x57: {  	_ =	shalt  }
0x58: {  	_ =	shalt  }
0x59: {  	_ =	shalt  }
0x5a: {  	_ =	shalt  }
0x5b: {  	_ =	shalt  }
0x5c: {  	_ =	shalt  }
0x5d: {  	_ =	shalt  }
0x5e: {  	_ =	shalt  }
0x5f: {  	_ =	shalt  }
0x60: {  	_ =	shalt  }
0x61: {  	_ =	shalt  }
0x62: {  	_ =	shalt  }
0x63: {  	_ =	shalt  }
0x64: {  	_ =	shalt  }
0x65: {  	_ =	shalt  }
0x66: {  	_ =	shalt  }
0x67: {  	_ =	shalt  }
0x68: {  	_ =	shalt  }
0x69: {  	_ =	shalt  }
0x6a: {  	_ =	shalt  }
0x6b: {  	_ =	shalt  }
0x6c: {  	_ =	shalt  }
0x6d: {  	_ =	shalt  }
0x6e: {  	_ =	shalt  }
0x6f: {  	_ =	shalt  }
0x70: {  	_ =	shalt  }
0x71: {  	_ =	shalt  }
0x72: {  	_ =	shalt  }
0x73: {  	_ =	shalt  }
0x74: {  	_ =	shalt  }
0x75: {  	_ =	shalt  }
0x76: {  	_ =	shalt  }
0x77: {  	_ =	shalt  }
0x78: {  	_ =	shalt  }
0x79: {  	_ =	shalt  }
0x7a: {  	_ =	shalt  }
0x7b: {  	_ =	shalt  }
0x7c: {  	_ =	shalt  }
0x7d: {  	_ =	shalt  }
0x7e: {  	_ =	shalt  }
0x7f: {  	_ =	shalt  }
0x80: {  	_ =	shalt  }
0x81: {  	_ =	shalt  }
0x82: {  	_ =	shalt  }
0x83: {  	_ =	shalt  }
0x84: {  	_ =	shalt  }
0x85: {  	_ =	shalt  }
0x86: {  	_ =	shalt  }
0x87: {  	_ =	shalt  }
.Lfunc_end0:
.L_simem_size_0:
called_computation_lowered:
.L_overlay_start_0:
0x88: {  	s2 =	sld [smem:$0x3FD9]  }
0x89: {  	s3 =	sld [smem:$0x3FFE];
	_ =	sdelay $0x1  }
0x8a: {  	s1 =	srdreg.scid  }
0x8b: {  	s0 =	sand.u32 $0x1, s1  }
0x8c: {  	s14 =	sshll.u32 s0, $0xA;
	s2 =	sadd.s32 s3, s2  }
0x8d: {  	s2 =	sadd.s32 s2, s14  }
0x8e: {  	[smem:$0x3FC5] =	sst s2  }
0x8f: {  	_ = 	snop  }
0x90: {  	s2 =	sld [smem:$0x3FD0];
	_ =	sdelay $0x2  }
0x91: {  	s15 =	simm.s32 $0xA;
	s4 =	simm.s32 $0x10  }
0x92: {  	[smem:s4], [sflag:s15] =	dma.local [hbm:s2], $0x1  }
0x93: {  	_ =	swait.eq [sflag:s15], $0x1  }
0x94: {  	[sflag:s15] =	ssyncset.done $0x0  }
0x95: {  	[sflag:s15] =	ssyncadd.s32 $0xFFFFFFFF  }
0x96: {  	s16 =	sld [smem:$0x11];
	(tm) =	ssettm $0x1  }
0x97: {  	s17 =	sld [smem:$0x3FFB];
	_ =	sdelay $0x3  }
0x98: {  	_ =	strace s17  }
0x99: {  	s3 =	sld [smem:$0x3FFC];
	_ =	sdelay $0x3  }
0x9a: {  	_ =	strace s3  }
0x9b: {  	s3 =	sld [smem:$0x3FFD];
	_ =	sdelay $0x3  }
0x9c: {  	_ =	strace s3  }
0x9d: {  	_ =	strace $0x8FFFFFFF  }
0x9e: {  	s18 =	sld [smem:$0x3FDB];
	_ =	sdelay $0x1  }
0x9f: {  	s19 =	simm.s32 $_scs_section_size  }
0xa0: {  	s5 =	simm.s32 $_size__tile_overlayer_lowered;
	s6 =	simm.s32 $_tile_overlayer_lowered  }
0xa1: {  	s22 =	simm.s32 $0x1BFF;
	s21 =	sshll.u32 s6, $0x1;
	s3 =	sadd.s32 s19, s18  }
0xa2: {  	s7 =	simm.s32 $0x0;
	s20 =	sshll.u32 s5, $0x1;
	s5 =	sadd.s32 s21, s3  }
0xa3: {  	[timem:s7], [sflag:s22] =	dma.local [hbm:s5], s20  }
0xa4: {  	_ =	swait.ge [sflag:s22], s20  }
0xa5: {  	s4 =	ssub.s32 $0x0, s20;
	[sflag:s22] =	ssyncset.done $0x0  }
0xa6: {  	[sflag:s22] =	ssyncadd.s32 s4;
	_ =	sdelay $0x1  }
0xa7: {  	s23 =	simm.s32 $0x1B8B  }
0xa8: {  	_ =	swait.ge [sflag:s23], $0x1  }
0xa9: {  	[sflag:s23] =	ssyncset.done $0x0  }
0xaa: {  	s25 =	simm.s32 $0x1B8E;
	s24 =	sld [smem:$0x3FFE];
	[sflag:s23] =	ssyncadd.s32 $0xFFFFFFFF  }
0xab: {  	s26 =	simm.s32 $execute0_lowered;
	[smem:$0x3FD2] =	sst s25  }
0xac: {  	s5 =	sshll.u32 s26, $0x1;
	_ =	strace $0x80000046;
	[dreg:$0x1] =	wrdreg $0xFFFFFFFF  }
0xad: {  	s28 =	simm.s32 $_size_execute0_lowered;
	s3 =	sadd.s32 s3, s5;
	[dreg:$0x0] =	wrdreg $0x0  }
0xae: {  	s5 =	sshll.u32 s28, $0x1;
	[dreg:$0x2] =	wrdreg s3  }
0xaf: {  	[dreg:$0x3] =	wrdreg s5  }
0xb0: {  	[dreg:$0x4] =	wrdreg $0xC0  }
0xb1: {  	_ =	task [dreg:s7], $0x5FFFF  }
0xb2: {  	[dreg:$0x1] =	wrdreg $0xFFFFFFFF  }
0xb3: {  	[dreg:$0x0] =	wrdreg $0x60  }
0xb4: {  	[dreg:$0x2] =	wrdreg s24  }
0xb5: {  	[dreg:$0x3] =	wrdreg s16  }
0xb6: {  	[dreg:$0x4] =	wrdreg $0x88000  }
0xb7: {  	[dreg:$0x5] =	wrdreg $0x9  }
0xb8: {  	_ =	task.clear_ibuf [dreg:s7], $0x6FFFF;
	_ =	strace $0x90000046  }
0xb9: {  	s29 =	simm.s32 $0x9;
	_ =	strace $0x80000048  }
0xba: {  	_ =	swait.ge [sflag:s29], $0x1  }
0xbb: {  	[sflag:s29] =	ssyncadd.s32 $0xFFFFFFFF  }
0xbc: {  	_ =	strace $0x90000048  }
0xbd: {  	_ =	sfence  }
0xbe: {  	s30 =	sld [smem:$0x0];
	_ =	sdelay $0x2  }
0xbf: {  	s31 =	sshll.u32 s1, $0xD;
	s1 =	sshrl.u32 s1, $0x2  }
0xc0: {  	s3 =	sand.u32 $0x4000, s31;
	s1 =	sadd.s32 s1, s30  }
0xc1: {  	s0 =	sor.u32 s3, s0;
	s1 =	sshll.u32 s1, $0x11  }
0xc2: {  	s0 =	sor.u32 s1, s0  }
0xc3: {  	s0 =	sadd.s32 $0x8F2B, s0  }
0xc4: {  	[sflag:s0] =	ssyncadd.remote.s32 $0x1  }
0xc5: {  	_ =	sfence.sel $0xFFFF  }
0xc6: {  	[dreg:$0x0] =	wrdreg $0xFFFFFFFF;
	(pc) =	sbr.abs _section_cstart, $3  }
0xc7: {  	[dreg:$0x1] =	wrdreg $0xFFFFFFFF  }
0xc8: {  	_ =	task.clear_ibuf [dreg:s7], $0x2FFFF;
	_ =	strace $0x9FFFFFFF  }
0xc9: {  	(tm) =	ssettm $0x7FFFFFFF  }
tec
execute0_lowered:
.L_overlay_start_1:
0x0: {  	(tag) =	ssettag $0x1  }
0x1: {  	s7 =	rddreg [dreg:$0x0]  }
0x2: {  	s0 =	srdreg.scid;
	s3 =	rddreg [dreg:$0x1]  }
0x3: {  	s8 =	stileid.u32;
	s1 =	rddreg [dreg:$0x2]  }
0x4: {  	s2 =	simm.s32 $0x0;
	s31 =	sand.u32 $0x1, s0;
	s17 =	sshll.u32 s8, $0x1  }
0x5: {  	[smem:$0x7FF] =	sst s2;
	s18 =	smov.u32 s7;
	s7 =	sadd.s32 $0x6800, s7  }
0x6: {  	s4 =	sor.u32 s31, s17;
	_ =	strace $0x80000047;
	[dreg:$0x4] =	wrdreg s7  }
0x7: {  	s19 =	sadd.s32 $0x6000, s18;
	s6 =	sshll.u32 s4, $0x7;
	s4 =	sshll.u32 s4, $0xE  }
0x8: {  	[dreg:$0x5] =	wrdreg s19;
	s20 =	sadd.s32 s18, s6;
	s3 =	sadd.s32 s3, s4  }
0x9: {  	s5 =	sshll.u32 s8, $0xB;
	[dreg:$0x7] =	wrdreg s20;
	s4 =	sadd.s32 $0x800, s3  }
0xa: {  	s5 =	sor.u32 s5, s6;
	s21 =	sadd.s32 $0x1000, s3;
	[dreg:$0x8] =	wrdreg s4  }
0xb: {  	s5 =	sand.u32 $0x6380, s5;
	s22 =	sadd.s32 $0x1800, s3;
	[dreg:$0x9] =	wrdreg s21  }
0xc: {  	s23 =	sadd.s32 $0x2000, s3;
	s5 =	sshrl.u32 s5, $0x3;
	[dreg:$0xa] =	wrdreg s22  }
0xd: {  	s24 =	sadd.s32 $0x2800, s3;
	[dreg:$0xb] =	wrdreg s23;
	s5 =	sadd.s32 s5, s18  }
0xe: {  	[dreg:$0xc] =	wrdreg s24;
	s5 =	sadd.s32 $0x5000, s5  }
0xf: {  	s6 =	simm.s32 $0x2;
	[dreg:$0x6] =	wrdreg s5  }
0x10: {  	s4 =	simm.s32 $0x80;
	s5 =	simm.s32 $0x400;
	s25 =	rddreg [dreg:$0x6]  }
0x11: {  	[tilespmem:s2], [sflag:$0x2] =	stream.strided.gather [hbm4b:s25+s4], $0x400, s5, s4, $0x38;
	[tilespmem:$0xA800] =	vst v63  }
0x12: {  	_ =	swait.ge [sflag:s6], $0x400  }
0x13: {  	[sflag:s6] =	ssyncset.done $0x0  }
0x14: {  	s26 =	rddreg [dreg:$0x7];
	[sflag:s6] =	ssyncadd.s32 $0xFFFFFC00  }
0x15: {  	[tilespmem:s5], [sflag:$0x2] =	stream.linear.gather [hbm4b:s26+s2], $0x400, $0x38;
	[tilespmem:$0xA800] =	vst v63  }
0x16: {  	_ =	swait.ge [sflag:s6], $0x400  }
0x17: {  	[sflag:s6] =	ssyncset.done $0x0  }
0x18: {  	s7 =	simm.s32 $0x4800;
	s9 =	rddreg [dreg:$0x5];
	[sflag:s6] =	ssyncadd.s32 $0xFFFFFC00  }
0x19: {  	[tilespmem:s7], [sflag:$0x2] =	stream.linear.gather [hbm4b:s9+s2], $0x4000, $0x38;
	[tilespmem:$0xA800] =	vst v63  }
0x1a: {  	p0 =	sne.s32 s8, $0x0;
	_ =	swait.ge [sflag:s6], $0x4000  }
0x1b: {  	s10 =	simm.s32 @!p0 $0x1C02;
	s8 =	simm.s32 @!p0 $0x2;
	[sflag:s6] =	ssyncset.done $0x0  }
0x1c: {  	s9 =	sshrl.u32 @!p0 s1, $0x3;
	s11 =	rddreg [dreg:$0x4];
	[sflag:s6] =	ssyncadd.s32 $0xFFFFC000  }
0x1d: {  	[spmem:s9], [sflag:s10] =	dma.local @!p0 [hbm:s11], $0x4000  }
0x1e: {  	_ =	swait.ge @!p0 [sflag:s8], $0x4000  }
0x1f: {  	s12 =	simm.s32 $0x800;
	[sflag:s8] =	ssyncset.done @!p0 $0x0  }
0x20: {  	s13 =	simm.s32 $0x1;
	s11 =	sadd.s32 $0x1000, s18;
	[sflag:s8] =	ssyncadd.s32 @!p0 $0xFFFFC000  }
0x21: {  	[tilespmem:s12], [sflag:$0x1] =	stream.indirect.gather [hbm4b:s11+s4], $0x80, s2, s4, $0xb8;
	[tilespmem:$0xA800] =	vst v63  }
0x22: {  	_ =	swait.ge [sflag:s13], $0x4000  }
0x23: {  	[sflag:s13] =	ssyncset.done $0x0  }
0x24: {  	[sflag:s13] =	ssyncadd.s32 $0xFFFFC000  }
0x25: {  	[hbm4b:s3+s2] =	stream.linear.scatter [tilespmem:s12], [sflag:$0x2], $0x4000, $0x38;
	[tilespmem:$0xA800] =	vst v63  }
0x26: {  	_ =	swait.ge [sflag:s6], $0x4000  }
0x27: {  	[sflag:s6] =	ssyncset.done $0x0  }
0x28: {  	[sflag:s6] =	ssyncadd.s32 $0xFFFFC000  }
0x29: {  	[tilespmem:s12], [sflag:$0x1] =	stream.indirect.gather [hbm4b:s11+s4], $0x80, s4, s4, $0xb8;
	[tilespmem:$0xA800] =	vst v63  }
0x2a: {  	_ =	swait.ge [sflag:s13], $0x4000  }
0x2b: {  	[sflag:s13] =	ssyncset.done $0x0  }
0x2c: {  	s14 =	rddreg [dreg:$0x8];
	[sflag:s13] =	ssyncadd.s32 $0xFFFFC000  }
0x2d: {  	[hbm4b:s14+s2] =	stream.linear.scatter [tilespmem:s12], [sflag:$0x2], $0x4000, $0x38;
	[tilespmem:$0xA800] =	vst v63  }
0x2e: {  	_ =	swait.ge [sflag:s6], $0x4000  }
0x2f: {  	[sflag:s6] =	ssyncset.done $0x0  }
0x30: {  	s14 =	simm.s32 $0x100;
	[sflag:s6] =	ssyncadd.s32 $0xFFFFC000  }
0x31: {  	[tilespmem:s12], [sflag:$0x1] =	stream.indirect.gather [hbm4b:s11+s4], $0x80, s14, s4, $0xb8;
	[tilespmem:$0xA800] =	vst v63  }
0x32: {  	_ =	swait.ge [sflag:s13], $0x4000  }
0x33: {  	[sflag:s13] =	ssyncset.done $0x0  }
0x34: {  	s15 =	rddreg [dreg:$0x9];
	[sflag:s13] =	ssyncadd.s32 $0xFFFFC000  }
0x35: {  	[hbm4b:s15+s2] =	stream.linear.scatter [tilespmem:s12], [sflag:$0x2], $0x4000, $0x38;
	[tilespmem:$0xA800] =	vst v63  }
0x36: {  	_ =	swait.ge [sflag:s6], $0x4000  }
0x37: {  	[sflag:s6] =	ssyncset.done $0x0  }
0x38: {  	s15 =	simm.s32 $0x180;
	[sflag:s6] =	ssyncadd.s32 $0xFFFFC000  }
0x39: {  	[tilespmem:s12], [sflag:$0x1] =	stream.indirect.gather [hbm4b:s11+s4], $0x80, s15, s4, $0xb8;
	[tilespmem:$0xA800] =	vst v63  }
0x3a: {  	_ =	swait.ge [sflag:s13], $0x4000  }
0x3b: {  	[sflag:s13] =	ssyncset.done $0x0  }
0x3c: {  	s16 =	rddreg [dreg:$0xa];
	[sflag:s13] =	ssyncadd.s32 $0xFFFFC000  }
0x3d: {  	[hbm4b:s16+s2] =	stream.linear.scatter [tilespmem:s12], [sflag:$0x2], $0x4000, $0x38;
	[tilespmem:$0xA800] =	vst v63  }
0x3e: {  	_ =	swait.ge [sflag:s6], $0x4000  }
0x3f: {  	[sflag:s6] =	ssyncset.done $0x0  }
0x40: {  	s16 =	simm.s32 $0x200;
	[sflag:s6] =	ssyncadd.s32 $0xFFFFC000  }
0x41: {  	[tilespmem:s12], [sflag:$0x1] =	stream.indirect.gather [hbm4b:s11+s4], $0x80, s16, s4, $0xb8;
	[tilespmem:$0xA800] =	vst v63  }
0x42: {  	_ =	swait.ge [sflag:s13], $0x4000  }
0x43: {  	[sflag:s13] =	ssyncset.done $0x0  }
0x44: {  	s17 =	rddreg [dreg:$0xb];
	[sflag:s13] =	ssyncadd.s32 $0xFFFFC000  }
0x45: {  	[hbm4b:s17+s2] =	stream.linear.scatter [tilespmem:s12], [sflag:$0x2], $0x4000, $0x38;
	[tilespmem:$0xA800] =	vst v63  }
0x46: {  	_ =	swait.ge [sflag:s6], $0x4000  }
0x47: {  	[sflag:s6] =	ssyncset.done $0x0  }
0x48: {  	s17 =	simm.s32 $0x280;
	[sflag:s6] =	ssyncadd.s32 $0xFFFFC000  }
0x49: {  	[tilespmem:s12], [sflag:$0x1] =	stream.indirect.gather [hbm4b:s11+s4], $0x80, s17, s4, $0xb8;
	[tilespmem:$0xA800] =	vst v63  }
0x4a: {  	_ =	swait.ge [sflag:s13], $0x4000  }
0x4b: {  	[sflag:s13] =	ssyncset.done $0x0  }
0x4c: {  	s18 =	rddreg [dreg:$0xc];
	[sflag:s13] =	ssyncadd.s32 $0xFFFFC000  }
0x4d: {  	[hbm4b:s18+s2] =	stream.linear.scatter [tilespmem:s12], [sflag:$0x2], $0x4000, $0x38;
	[tilespmem:$0xA800] =	vst v63  }
0x4e: {  	_ =	swait.ge [sflag:s6], $0x4000  }
0x4f: {  	[sflag:s6] =	ssyncset.done $0x0  }
0x50: {  	s18 =	simm.s32 $0x300;
	[sflag:s6] =	ssyncadd.s32 $0xFFFFC000  }
0x51: {  	[tilespmem:s12], [sflag:$0x1] =	stream.indirect.gather [hbm4b:s11+s4], $0x80, s18, s4, $0xb8;
	[tilespmem:$0xA800] =	vst v63  }
0x52: {  	_ =	swait.ge [sflag:s13], $0x4000  }
0x53: {  	[sflag:s13] =	ssyncset.done $0x0  }
0x54: {  	s19 =	sadd.s32 $0x3000, s3;
	[sflag:s13] =	ssyncadd.s32 $0xFFFFC000  }
0x55: {  	[hbm4b:s19+s2] =	stream.linear.scatter [tilespmem:s12], [sflag:$0x2], $0x4000, $0x38;
	[tilespmem:$0xA800] =	vst v63  }
0x56: {  	_ =	swait.ge [sflag:s6], $0x4000  }
0x57: {  	[sflag:s6] =	ssyncset.done $0x0  }
0x58: {  	s20 =	simm.s32 $0x380;
	[sflag:s6] =	ssyncadd.s32 $0xFFFFC000  }
0x59: {  	[tilespmem:s12], [sflag:$0x1] =	stream.indirect.gather [hbm4b:s11+s4], $0x80, s20, s4, $0xb8;
	[tilespmem:$0xA800] =	vst v63  }
0x5a: {  	_ =	swait.ge [sflag:s13], $0x4000  }
0x5b: {  	[sflag:s13] =	ssyncset.done $0x0  }
0x5c: {  	s21 =	sadd.s32 $0x3800, s3;
	[sflag:s13] =	ssyncadd.s32 $0xFFFFC000  }
0x5d: {  	[hbm4b:s21+s2] =	stream.linear.scatter [tilespmem:s12], [sflag:$0x2], $0x4000, $0x38;
	[tilespmem:$0xA800] =	vst v63  }
0x5e: {  	_ =	swait.ge [sflag:s6], $0x4000  }
0x5f: {  	[sflag:s6] =	ssyncset.done $0x0  }
0x60: {  	[sflag:s6] =	ssyncadd.s32 $0xFFFFC000  }
0x61: {  	[bflag:$0x0] =	sbarrier.arrive $0xFFFF  }
0x62: {  	[spmem:s1] =	stream.indirect.scatter.add.f32 [tilespmem:s7], [sflag:$0x2], $0x80, s5, s4, $0xb8;
	[tilespmem:$0xA800] =	vst v63  }
0x63: {  	_ =	swait.ge [sflag:s6], $0x4000  }
0x64: {  	[sflag:s6] =	ssyncset.done $0x0  }
0x65: {  	s22 =	simm.s32 $0x480;
	[sflag:s6] =	ssyncadd.s32 $0xFFFFC000  }
0x66: {  	[spmem:s1] =	stream.indirect.scatter.add.f32 [tilespmem:s7], [sflag:$0x2], $0x80, s22, s4, $0xb8;
	[tilespmem:$0xA800] =	vst v63  }
0x67: {  	_ =	swait.ge [sflag:s6], $0x4000  }
0x68: {  	[sflag:s6] =	ssyncset.done $0x0  }
0x69: {  	s23 =	simm.s32 $0x500;
	[sflag:s6] =	ssyncadd.s32 $0xFFFFC000  }
0x6a: {  	[spmem:s1] =	stream.indirect.scatter.add.f32 [tilespmem:s7], [sflag:$0x2], $0x80, s23, s4, $0xb8;
	[tilespmem:$0xA800] =	vst v63  }
0x6b: {  	_ =	swait.ge [sflag:s6], $0x4000  }
0x6c: {  	[sflag:s6] =	ssyncset.done $0x0  }
0x6d: {  	s24 =	simm.s32 $0x580;
	[sflag:s6] =	ssyncadd.s32 $0xFFFFC000  }
0x6e: {  	[spmem:s1] =	stream.indirect.scatter.add.f32 [tilespmem:s7], [sflag:$0x2], $0x80, s24, s4, $0xb8;
	[tilespmem:$0xA800] =	vst v63  }
0x6f: {  	_ =	swait.ge [sflag:s6], $0x4000  }
0x70: {  	[sflag:s6] =	ssyncset.done $0x0  }
0x71: {  	s25 =	simm.s32 $0x600;
	[sflag:s6] =	ssyncadd.s32 $0xFFFFC000  }
0x72: {  	[spmem:s1] =	stream.indirect.scatter.add.f32 [tilespmem:s7], [sflag:$0x2], $0x80, s25, s4, $0xb8;
	[tilespmem:$0xA800] =	vst v63  }
0x73: {  	_ =	swait.ge [sflag:s6], $0x4000  }
0x74: {  	[sflag:s6] =	ssyncset.done $0x0  }
0x75: {  	s26 =	simm.s32 $0x680;
	[sflag:s6] =	ssyncadd.s32 $0xFFFFC000  }
0x76: {  	[spmem:s1] =	stream.indirect.scatter.add.f32 [tilespmem:s7], [sflag:$0x2], $0x80, s26, s4, $0xb8;
	[tilespmem:$0xA800] =	vst v63  }
0x77: {  	_ =	swait.ge [sflag:s6], $0x4000  }
0x78: {  	[sflag:s6] =	ssyncset.done $0x0  }
0x79: {  	s28 =	simm.s32 $0x700;
	[sflag:s6] =	ssyncadd.s32 $0xFFFFC000  }
0x7a: {  	[spmem:s1] =	stream.indirect.scatter.add.f32 [tilespmem:s7], [sflag:$0x2], $0x80, s28, s4, $0xb8;
	[tilespmem:$0xA800] =	vst v63  }
0x7b: {  	_ =	swait.ge [sflag:s6], $0x4000  }
0x7c: {  	[sflag:s6] =	ssyncset.done $0x0  }
0x7d: {  	s29 =	simm.s32 $0x780;
	s0 =	ssub.s32 $0x2, s31;
	[sflag:s6] =	ssyncadd.s32 $0xFFFFC000  }
0x7e: {  	[spmem:s1] =	stream.indirect.scatter.add.f32 [tilespmem:s7], [sflag:$0x2], $0x80, s29, s4, $0xb8;
	[tilespmem:$0xA800] =	vst v63  }
0x7f: {  	s30 =	sshrl.u32 s0, $0x1;
	_ =	swait.ge [sflag:s6], $0x4000  }
0x80: {  	s0 =	ssub.s32 s0, s30;
	[sflag:s6] =	ssyncset.done $0x0  }
0x81: {  	s30 =	sshll.u32 s31, $0xE;
	s0 =	smax.u32 s0, $0x1;
	s31 =	rddreg [dreg:$0x0]  }
0x82: {  	s30 =	sadd.s32 s30, s31;
	s31 =	sadd.s32 $0xFFFFFFFF, s0  }
0x83: {  	p1 =	sne.s32 s31, $0x0  }
.Ltmp0:
0x84: {  	_ = 	snop;
	(pc) =	sbr.rel @!p1 .LBB2_2-.Ltmp0, $4  }
0x85: {  	[sflag:s6] =	ssyncadd.s32 $0xFFFFC000  }
0x86: {  	[bflag:$0x0] =	sbarrier.arrive $0xFFFF;
	s30 =	sadd.s32 $0xA800, s30  }
0x87: {  	[hbm:s30], [sflag:s10] =	dma.local @!p0 [spmem:s9], $0x4000  }
0x88: {  	_ =	swait.ge @!p0 [sflag:s8], $0x4000  }
.LBB2_1:
0x89: {  	[sflag:s8] =	ssyncset.done @!p0 $0x0  }
0x8a: {  	s0 =	rddreg [dreg:$0x6];
	[sflag:s8] =	ssyncadd.s32 @!p0 $0xFFFFC000  }
0x8b: {  	[tilespmem:s2], [sflag:$0x2] =	stream.strided.gather [hbm4b:s0+s4], $0x400, s5, s4, $0x38;
	[tilespmem:$0xA800] =	vst v63  }
0x8c: {  	_ =	swait.ge [sflag:s6], $0x400  }
0x8d: {  	[sflag:s6] =	ssyncset.done $0x0  }
0x8e: {  	s0 =	rddreg [dreg:$0x7];
	[sflag:s6] =	ssyncadd.s32 $0xFFFFFC00  }
0x8f: {  	[tilespmem:s5], [sflag:$0x2] =	stream.linear.gather [hbm4b:s0+s2], $0x400, $0x38;
	[tilespmem:$0xA800] =	vst v63  }
0x90: {  	_ =	swait.ge [sflag:s6], $0x400  }
0x91: {  	[sflag:s6] =	ssyncset.done $0x0  }
0x92: {  	s0 =	rddreg [dreg:$0x5];
	[sflag:s6] =	ssyncadd.s32 $0xFFFFFC00  }
0x93: {  	[tilespmem:s7], [sflag:$0x2] =	stream.linear.gather [hbm4b:s0+s2], $0x4000, $0x38;
	[tilespmem:$0xA800] =	vst v63  }
0x94: {  	_ =	swait.ge [sflag:s6], $0x4000  }
0x95: {  	[sflag:s6] =	ssyncset.done $0x0  }
0x96: {  	s0 =	rddreg [dreg:$0x4];
	[sflag:s6] =	ssyncadd.s32 $0xFFFFC000  }
0x97: {  	[spmem:s9], [sflag:s10] =	dma.local @!p0 [hbm:s0], $0x4000  }
0x98: {  	_ =	swait.ge @!p0 [sflag:s8], $0x4000  }
0x99: {  	[sflag:s8] =	ssyncset.done @!p0 $0x0  }
0x9a: {  	[sflag:s8] =	ssyncadd.s32 @!p0 $0xFFFFC000  }
0x9b: {  	[tilespmem:s12], [sflag:$0x1] =	stream.indirect.gather [hbm4b:s11+s4], $0x80, s2, s4, $0xb8;
	[tilespmem:$0xA800] =	vst v63  }
0x9c: {  	_ =	swait.ge [sflag:s13], $0x4000  }
0x9d: {  	[sflag:s13] =	ssyncset.done $0x0  }
0x9e: {  	[sflag:s13] =	ssyncadd.s32 $0xFFFFC000  }
0x9f: {  	[hbm4b:s3+s2] =	stream.linear.scatter [tilespmem:s12], [sflag:$0x2], $0x4000, $0x38;
	[tilespmem:$0xA800] =	vst v63  }
0xa0: {  	_ =	swait.ge [sflag:s6], $0x4000  }
0xa1: {  	[sflag:s6] =	ssyncset.done $0x0  }
0xa2: {  	[sflag:s6] =	ssyncadd.s32 $0xFFFFC000  }
0xa3: {  	[tilespmem:s12], [sflag:$0x1] =	stream.indirect.gather [hbm4b:s11+s4], $0x80, s4, s4, $0xb8;
	[tilespmem:$0xA800] =	vst v63  }
0xa4: {  	_ =	swait.ge [sflag:s13], $0x4000  }
0xa5: {  	[sflag:s13] =	ssyncset.done $0x0  }
0xa6: {  	s0 =	rddreg [dreg:$0x8];
	[sflag:s13] =	ssyncadd.s32 $0xFFFFC000  }
0xa7: {  	[hbm4b:s0+s2] =	stream.linear.scatter [tilespmem:s12], [sflag:$0x2], $0x4000, $0x38;
	[tilespmem:$0xA800] =	vst v63  }
0xa8: {  	_ =	swait.ge [sflag:s6], $0x4000  }
0xa9: {  	[sflag:s6] =	ssyncset.done $0x0  }
0xaa: {  	[sflag:s6] =	ssyncadd.s32 $0xFFFFC000  }
0xab: {  	[tilespmem:s12], [sflag:$0x1] =	stream.indirect.gather [hbm4b:s11+s4], $0x80, s14, s4, $0xb8;
	[tilespmem:$0xA800] =	vst v63  }
0xac: {  	_ =	swait.ge [sflag:s13], $0x4000  }
0xad: {  	[sflag:s13] =	ssyncset.done $0x0  }
0xae: {  	s0 =	rddreg [dreg:$0x9];
	[sflag:s13] =	ssyncadd.s32 $0xFFFFC000  }
0xaf: {  	[hbm4b:s0+s2] =	stream.linear.scatter [tilespmem:s12], [sflag:$0x2], $0x4000, $0x38;
	[tilespmem:$0xA800] =	vst v63  }
0xb0: {  	_ =	swait.ge [sflag:s6], $0x4000  }
0xb1: {  	[sflag:s6] =	ssyncset.done $0x0  }
0xb2: {  	[sflag:s6] =	ssyncadd.s32 $0xFFFFC000  }
0xb3: {  	[tilespmem:s12], [sflag:$0x1] =	stream.indirect.gather [hbm4b:s11+s4], $0x80, s15, s4, $0xb8;
	[tilespmem:$0xA800] =	vst v63  }
0xb4: {  	_ =	swait.ge [sflag:s13], $0x4000  }
0xb5: {  	[sflag:s13] =	ssyncset.done $0x0  }
0xb6: {  	s0 =	rddreg [dreg:$0xa];
	[sflag:s13] =	ssyncadd.s32 $0xFFFFC000  }
0xb7: {  	[hbm4b:s0+s2] =	stream.linear.scatter [tilespmem:s12], [sflag:$0x2], $0x4000, $0x38;
	[tilespmem:$0xA800] =	vst v63  }
0xb8: {  	_ =	swait.ge [sflag:s6], $0x4000  }
0xb9: {  	[sflag:s6] =	ssyncset.done $0x0  }
0xba: {  	[sflag:s6] =	ssyncadd.s32 $0xFFFFC000  }
0xbb: {  	[tilespmem:s12], [sflag:$0x1] =	stream.indirect.gather [hbm4b:s11+s4], $0x80, s16, s4, $0xb8;
	[tilespmem:$0xA800] =	vst v63  }
0xbc: {  	_ =	swait.ge [sflag:s13], $0x4000  }
0xbd: {  	[sflag:s13] =	ssyncset.done $0x0  }
0xbe: {  	s0 =	rddreg [dreg:$0xb];
	[sflag:s13] =	ssyncadd.s32 $0xFFFFC000  }
0xbf: {  	[hbm4b:s0+s2] =	stream.linear.scatter [tilespmem:s12], [sflag:$0x2], $0x4000, $0x38;
	[tilespmem:$0xA800] =	vst v63  }
0xc0: {  	_ =	swait.ge [sflag:s6], $0x4000  }
0xc1: {  	[sflag:s6] =	ssyncset.done $0x0  }
0xc2: {  	[sflag:s6] =	ssyncadd.s32 $0xFFFFC000  }
0xc3: {  	[tilespmem:s12], [sflag:$0x1] =	stream.indirect.gather [hbm4b:s11+s4], $0x80, s17, s4, $0xb8;
	[tilespmem:$0xA800] =	vst v63  }
0xc4: {  	_ =	swait.ge [sflag:s13], $0x4000  }
0xc5: {  	[sflag:s13] =	ssyncset.done $0x0  }
0xc6: {  	s0 =	rddreg [dreg:$0xc];
	[sflag:s13] =	ssyncadd.s32 $0xFFFFC000  }
0xc7: {  	[hbm4b:s0+s2] =	stream.linear.scatter [tilespmem:s12], [sflag:$0x2], $0x4000, $0x38;
	[tilespmem:$0xA800] =	vst v63  }
0xc8: {  	_ =	swait.ge [sflag:s6], $0x4000  }
0xc9: {  	[sflag:s6] =	ssyncset.done $0x0  }
0xca: {  	[sflag:s6] =	ssyncadd.s32 $0xFFFFC000  }
0xcb: {  	[tilespmem:s12], [sflag:$0x1] =	stream.indirect.gather [hbm4b:s11+s4], $0x80, s18, s4, $0xb8;
	[tilespmem:$0xA800] =	vst v63  }
0xcc: {  	_ =	swait.ge [sflag:s13], $0x4000  }
0xcd: {  	[sflag:s13] =	ssyncset.done $0x0  }
0xce: {  	[sflag:s13] =	ssyncadd.s32 $0xFFFFC000  }
0xcf: {  	[hbm4b:s19+s2] =	stream.linear.scatter [tilespmem:s12], [sflag:$0x2], $0x4000, $0x38;
	[tilespmem:$0xA800] =	vst v63  }
0xd0: {  	_ =	swait.ge [sflag:s6], $0x4000  }
0xd1: {  	[sflag:s6] =	ssyncset.done $0x0  }
0xd2: {  	[sflag:s6] =	ssyncadd.s32 $0xFFFFC000  }
0xd3: {  	[tilespmem:s12], [sflag:$0x1] =	stream.indirect.gather [hbm4b:s11+s4], $0x80, s20, s4, $0xb8;
	[tilespmem:$0xA800] =	vst v63  }
0xd4: {  	_ =	swait.ge [sflag:s13], $0x4000  }
0xd5: {  	[sflag:s13] =	ssyncset.done $0x0  }
0xd6: {  	[sflag:s13] =	ssyncadd.s32 $0xFFFFC000  }
0xd7: {  	[hbm4b:s21+s2] =	stream.linear.scatter [tilespmem:s12], [sflag:$0x2], $0x4000, $0x38;
	[tilespmem:$0xA800] =	vst v63  }
0xd8: {  	_ =	swait.ge [sflag:s6], $0x4000  }
0xd9: {  	[sflag:s6] =	ssyncset.done $0x0  }
0xda: {  	[sflag:s6] =	ssyncadd.s32 $0xFFFFC000  }
0xdb: {  	[bflag:$0x0] =	sbarrier.arrive $0xFFFF  }
0xdc: {  	[spmem:s1] =	stream.indirect.scatter.add.f32 [tilespmem:s7], [sflag:$0x2], $0x80, s5, s4, $0xb8;
	[tilespmem:$0xA800] =	vst v63  }
0xdd: {  	_ =	swait.ge [sflag:s6], $0x4000  }
0xde: {  	[sflag:s6] =	ssyncset.done $0x0  }
0xdf: {  	[sflag:s6] =	ssyncadd.s32 $0xFFFFC000  }
0xe0: {  	[spmem:s1] =	stream.indirect.scatter.add.f32 [tilespmem:s7], [sflag:$0x2], $0x80, s22, s4, $0xb8;
	[tilespmem:$0xA800] =	vst v63  }
0xe1: {  	_ =	swait.ge [sflag:s6], $0x4000  }
0xe2: {  	[sflag:s6] =	ssyncset.done $0x0  }
0xe3: {  	[sflag:s6] =	ssyncadd.s32 $0xFFFFC000  }
0xe4: {  	[spmem:s1] =	stream.indirect.scatter.add.f32 [tilespmem:s7], [sflag:$0x2], $0x80, s23, s4, $0xb8;
	[tilespmem:$0xA800] =	vst v63  }
0xe5: {  	_ =	swait.ge [sflag:s6], $0x4000  }
0xe6: {  	[sflag:s6] =	ssyncset.done $0x0  }
0xe7: {  	[sflag:s6] =	ssyncadd.s32 $0xFFFFC000  }
0xe8: {  	[spmem:s1] =	stream.indirect.scatter.add.f32 [tilespmem:s7], [sflag:$0x2], $0x80, s24, s4, $0xb8;
	[tilespmem:$0xA800] =	vst v63  }
0xe9: {  	_ =	swait.ge [sflag:s6], $0x4000  }
0xea: {  	[sflag:s6] =	ssyncset.done $0x0  }
0xeb: {  	[sflag:s6] =	ssyncadd.s32 $0xFFFFC000  }
0xec: {  	[spmem:s1] =	stream.indirect.scatter.add.f32 [tilespmem:s7], [sflag:$0x2], $0x80, s25, s4, $0xb8;
	[tilespmem:$0xA800] =	vst v63  }
0xed: {  	_ =	swait.ge [sflag:s6], $0x4000  }
0xee: {  	[sflag:s6] =	ssyncset.done $0x0  }
0xef: {  	[sflag:s6] =	ssyncadd.s32 $0xFFFFC000  }
0xf0: {  	[spmem:s1] =	stream.indirect.scatter.add.f32 [tilespmem:s7], [sflag:$0x2], $0x80, s26, s4, $0xb8;
	[tilespmem:$0xA800] =	vst v63  }
0xf1: {  	_ =	swait.ge [sflag:s6], $0x4000  }
0xf2: {  	[sflag:s6] =	ssyncset.done $0x0  }
0xf3: {  	[sflag:s6] =	ssyncadd.s32 $0xFFFFC000  }
0xf4: {  	[spmem:s1] =	stream.indirect.scatter.add.f32 [tilespmem:s7], [sflag:$0x2], $0x80, s28, s4, $0xb8;
	[tilespmem:$0xA800] =	vst v63  }
0xf5: {  	_ =	swait.ge [sflag:s6], $0x4000  }
0xf6: {  	[sflag:s6] =	ssyncset.done $0x0  }
0xf7: {  	s31 =	sadd.s32 $0xFFFFFFFF, s31;
	[sflag:s6] =	ssyncadd.s32 $0xFFFFC000  }
0xf8: {  	[spmem:s1] =	stream.indirect.scatter.add.f32 [tilespmem:s7], [sflag:$0x2], $0x80, s29, s4, $0xb8;
	[tilespmem:$0xA800] =	vst v63  }
0xf9: {  	p1 =	sne.s32 s31, $0x0;
	_ =	swait.ge [sflag:s6], $0x4000  }
.Ltmp1:
0xfa: {  	[sflag:s6] =	ssyncset.done $0x0;
	(pc) =	sbr.rel @p1 .LBB2_1-.Ltmp1, $4  }
0xfb: {  	[sflag:s6] =	ssyncadd.s32 $0xFFFFC000  }
0xfc: {  	[bflag:$0x0] =	sbarrier.arrive $0xFFFF  }
0xfd: {  	[hbm:s30], [sflag:s10] =	dma.local @!p0 [spmem:s9], $0x4000  }
0xfe: {  	_ =	swait.ge @!p0 [sflag:s8], $0x4000  }
.LBB2_2:
0xff: {  	[sflag:s8] =	ssyncset.done @!p0 $0x0  }
0x100: {  	[sflag:s8] =	ssyncadd.s32 @!p0 $0xFFFFC000  }
0x101: {  	_ =	sfence.sel $0x180000  }
0x102: {  	[bflag:$0x0] =	sbarrier.arrive $0xFFFF  }
0x103: {  	_ =	strace $0x90000047  }
0x104: {  	[bflag:$0x2] =	sbarrier.arrive $0xFFFF  }
0x105: {  	s0 =	rddreg [dreg:$0x3]  }
0x106: {  	s0 =	sadd.s32 @!p0 $0x100000, s0  }
0x107: {  	[sflag:s0] =	ssyncadd.tile.s32 @!p0 $0x1;
	_ =	shalt  }
.Lfunc_end2:
_tile_overlayer_lowered:
.L_overlay_start_2:
0x108: {  	(tag) =	ssettag $0x2  }
0x109: {  	s0 =	rddreg [dreg:$0x0];
	s2 =	stileid.u32  }
0x10a: {  	s1 =	rddreg [dreg:$0x1];
	p0 =	sne.s32 s2, $0x0  }
0x10b: {  	s3 =	rddreg [dreg:$0x2];
	[bflag:$0x3] =	sbarrier.arrive $0xFFFF;
	s2 =	simm.s32 @!p0 $0x1C02  }
0x10c: {  	[timem:s3], [sflag:s2] =	dma.local @!p0 [hbm:s0], s1  }
0x10d: {  	s0 =	simm.s32 @!p0 $0x2  }
0x10e: {  	_ =	swait.ge @!p0 [sflag:s0], s1  }
0x10f: {  	s1 =	ssub.s32 @!p0 $0x0, s1;
	[sflag:s0] =	ssyncset.done @!p0 $0x0  }
0x110: {  	[sflag:s0] =	ssyncadd.s32 @!p0 s1  }
0x111: {  	[bflag:$0x3] =	sbarrier.arrive $0xFFFF  }
0x112: {  	_ =	shalt  }

</sc_bundles>
